<compile_context>
chip_gen: v7x
topology: tpu7x:2x2x1
jax: 0.10.2.dev20260603
libtpu: 0.0.44.dev20260713+nightly
codegen_flags: <defaults>
</compile_context>

<pallas_src>
import functools

import jax
import jax.numpy as jnp
from jax import lax
from jax.experimental import pallas as pl
from jax.experimental.pallas import tpu as pltpu
from jax.experimental.pallas import tpu_sc as plsc

_N = 20000
_B = 1024
_K = 20
_NP = _B * _K
_KL = 128
_BC = 256
_SLOTS = _NP // _BC


def _nms_body(scal_ref, yolo_ref, yoloT_ref, out_ref, d_ref, dcol_ref,
              sup_ref, comp_ref, cnt_ref):
    iou_thr = scal_ref[0]
    score_thr = scal_ref[1]
    comp_ref[...] = jnp.zeros((5, _SLOTS, 1, _BC), jnp.float32)
    cnt_ref[0] = 0

    cx = yolo_ref[0]
    cy = yolo_ref[1]
    w = yolo_ref[2]
    h = yolo_ref[3]
    s = yolo_ref[4]
    x1 = cx - w / 2
    y1 = cy - h / 2
    x2 = cx + w / 2
    y2 = cy + h / 2
    area = jnp.maximum(x2 - x1, 0.0) * jnp.maximum(y2 - y1, 0.0)
    d_ref[0] = x1
    d_ref[1] = y1
    d_ref[2] = x2
    d_ref[3] = y2
    d_ref[4] = area

    cxT = yoloT_ref[0]
    cyT = yoloT_ref[1]
    wT = yoloT_ref[2]
    hT = yoloT_ref[3]
    x1T = cxT - wT / 2
    y1T = cyT - hT / 2
    x2T = cxT + wT / 2
    y2T = cyT + hT / 2
    dcol_ref[0] = x1T
    dcol_ref[1] = y1T
    dcol_ref[2] = x2T
    dcol_ref[3] = y2T
    dcol_ref[4] = jnp.maximum(x2T - x1T, 0.0) * jnp.maximum(y2T - y1T, 0.0)

    sup_ref[...] = (s <= score_thr).astype(jnp.float32)

    n_eff = jnp.sum((s > score_thr).astype(jnp.int32))
    k_eff = (n_eff + _B - 1) // _B

    ri = lax.broadcasted_iota(jnp.int32, (_B, _B), 0)
    ci = lax.broadcasted_iota(jnp.int32, (_B, _B), 1)
    tri = (ci > ri).astype(jnp.float32)
    ident = (ci == ri).astype(jnp.float32)
    lowtri = (ci < ri).astype(jnp.float32)
    qf = lax.broadcasted_iota(jnp.int32, (_B, _BC), 1).astype(jnp.float32)
    lane_k = lax.broadcasted_iota(jnp.int32, (1, _KL), 1)

    def cols_of(m):
        onehot = (lane_k == m).astype(jnp.float32)
        return [jnp.sum(dcol_ref[ch] * onehot, axis=1, keepdims=True)
                for ch in range(5)]

    def block_body(m, _):
        tx1, ty1, tx2, ty2, ta = cols_of(m)

        g_cnt = cnt_ref[0]

        def c_body(c, hit_col):
            x1s = comp_ref[0, pl.ds(c, 1)].reshape(1, _BC)
            y1s = comp_ref[1, pl.ds(c, 1)].reshape(1, _BC)
            x2s = comp_ref[2, pl.ds(c, 1)].reshape(1, _BC)
            y2s = comp_ref[3, pl.ds(c, 1)].reshape(1, _BC)
            as_ = comp_ref[4, pl.ds(c, 1)].reshape(1, _BC)
            cxx1 = jnp.maximum(x1s, tx1)
            cyy1 = jnp.maximum(y1s, ty1)
            cxx2 = jnp.minimum(x2s, tx2)
            cyy2 = jnp.minimum(y2s, ty2)
            cinter = (jnp.maximum(cxx2 - cxx1, 0.0)
                      * jnp.maximum(cyy2 - cyy1, 0.0))
            ciou = cinter / (as_ + ta - cinter + 1e-9)
            return jnp.maximum(
                hit_col,
                jnp.max((ciou > iou_thr).astype(jnp.float32),
                        axis=1, keepdims=True))

        hit_col = lax.fori_loop(0, (g_cnt + _BC - 1) // _BC, c_body,
                                jnp.zeros((_B, 1), jnp.float32))
        hit_row = (lax.dot_general(
            hit_col, ident, (((0,), (0,)), ((), ())),
            preferred_element_type=jnp.float32) > 0.5).astype(jnp.float32)

        x1r = d_ref[0, pl.ds(m, 1)].reshape(1, _B)
        y1r = d_ref[1, pl.ds(m, 1)].reshape(1, _B)
        x2r = d_ref[2, pl.ds(m, 1)].reshape(1, _B)
        y2r = d_ref[3, pl.ds(m, 1)].reshape(1, _B)
        ar = d_ref[4, pl.ds(m, 1)].reshape(1, _B)
        xx1 = jnp.maximum(tx1, x1r)
        yy1 = jnp.maximum(ty1, y1r)
        xx2 = jnp.minimum(tx2, x2r)
        yy2 = jnp.minimum(ty2, y2r)
        inter = jnp.maximum(xx2 - xx1, 0.0) * jnp.maximum(yy2 - yy1, 0.0)
        iou = inter / (ta + ar - inter + 1e-9)
        m_mat = (iou > iou_thr).astype(jnp.float32) * tri

        dead0 = jnp.maximum(sup_ref[pl.ds(m, 1)].reshape(1, _B), hit_row)

        def fix_cond(c):
            dead, alive, r = c
            return jnp.logical_and(
                jnp.sum((1.0 - dead) * (1.0 - alive)) > 0.0, r < _B)

        def fix_body(c):
            dead, alive, r = c
            notdead = 1.0 - dead
            maybe = jnp.dot(notdead, m_mat, preferred_element_type=jnp.float32)
            alive = jnp.maximum(
                alive, notdead * (maybe <= 0.0).astype(jnp.float32))
            defs = jnp.dot(alive, m_mat, preferred_element_type=jnp.float32)
            dead = jnp.maximum(
                dead, (defs > 0.0).astype(jnp.float32) * (1.0 - alive))
            return dead, alive, r + 1

        _, alive, _ = lax.while_loop(
            fix_cond, fix_body,
            (dead0, jnp.zeros((1, _B), jnp.float32), jnp.int32(0)))
        sup_ref[pl.ds(m, 1)] = (1.0 - alive).reshape(1, 1, _B)

        a_cnt = jnp.sum(alive).astype(jnp.int32)

        aliveT = (lax.dot_general(
            ident, alive, (((1,), (1,)), ((), ())),
            preferred_element_type=jnp.float32) > 0.5).astype(jnp.float32)
        pos_col = (jnp.dot(lowtri, aliveT, preferred_element_type=jnp.float32)
                   + g_cnt.astype(jnp.float32))

        def store_chunk(c, _):
            qoff = qf + (c * _BC).astype(jnp.float32)
            perm = ((jnp.abs(pos_col - qoff) < 0.5).astype(jnp.float32)
                    * aliveT)
            for ch, col in enumerate((tx1, ty1, tx2, ty2, ta)):
                comp_ref[ch, pl.ds(c, 1)] = (
                    comp_ref[ch, pl.ds(c, 1)]
                    + jnp.sum(perm * col, axis=0,
                              keepdims=True).reshape(1, 1, _BC))
            return 0

        lax.fori_loop(g_cnt // _BC, (g_cnt + a_cnt + _BC - 1) // _BC,
                      store_chunk, 0)
        cnt_ref[0] = g_cnt + a_cnt
        return 0

    lax.fori_loop(0, k_eff, block_body, 0)

    keep = 1.0 - sup_ref[...]
    out_ref[0] = d_ref[0] * keep
    out_ref[1] = d_ref[1] * keep
    out_ref[2] = d_ref[2] * keep
    out_ref[3] = d_ref[3] * keep
    out_ref[4] = s * keep


def _nms_pallas(ys_pad, scal, interpret=False):
    yolo_in = ys_pad.reshape(_K, 1, _B, 5).transpose(3, 0, 1, 2)
    yoloT_in = jnp.pad(
        ys_pad[:, :4].reshape(_K, _B, 4).transpose(2, 1, 0),
        ((0, 0), (0, 0), (0, _KL - _K)))
    out = pl.pallas_call(
        _nms_body,
        out_shape=jax.ShapeDtypeStruct((5, _K, 1, _B), jnp.float32),
        in_specs=[
            pl.BlockSpec(memory_space=pltpu.SMEM),
            pl.BlockSpec(memory_space=pltpu.VMEM),
            pl.BlockSpec(memory_space=pltpu.VMEM),
        ],
        out_specs=pl.BlockSpec(memory_space=pltpu.VMEM),
        scratch_shapes=[
            pltpu.VMEM((5, _K, 1, _B), jnp.float32),
            pltpu.VMEM((5, _B, _KL), jnp.float32),
            pltpu.VMEM((_K, 1, _B), jnp.float32),
            pltpu.VMEM((5, _SLOTS, 1, _BC), jnp.float32),
            pltpu.SMEM((1,), jnp.int32),
        ],
        interpret=interpret,
    )(scal, yolo_in, yoloT_in)
    return out.reshape(5, _NP).T[:_N]


_GD = 128


def _sc_gather(table16, idx_pad, gb, b_per_w, num_cores):
    mesh = plsc.VectorSubcoreMesh(core_axis_name="c", subcore_axis_name="s")

    @functools.partial(
        pl.kernel, mesh=mesh,
        out_type=jax.ShapeDtypeStruct((gb, _GD), jnp.float32),
        scratch_types=[
            pltpu.VMEM((b_per_w,), jnp.int32),
            pltpu.VMEM((b_per_w, _GD), jnp.float32),
            pltpu.SemaphoreType.DMA,
        ],
    )
    def gk(table_hbm, idx_hbm, out_hbm, idx_v, rows_v, sem):
        wid = lax.axis_index("s") * num_cores + lax.axis_index("c")
        base = wid * b_per_w
        pltpu.sync_copy(idx_hbm.at[pl.ds(base, b_per_w)], idx_v)
        pltpu.async_copy(table_hbm.at[idx_v], rows_v, sem).wait()
        pltpu.sync_copy(rows_v, out_hbm.at[pl.ds(base, b_per_w)])

    return gk(table16, idx_pad)


def kernel(yolo_results, iou_threshold, score_threshold):
    scores = yolo_results[:, 4]
    order = jnp.argsort(-scores)
    info = plsc.get_sparse_core_info()
    nw = info.num_cores * info.num_subcores
    gb = ((_N + 8 * nw - 1) // (8 * nw)) * (8 * nw)
    idx_pad = jnp.concatenate(
        [order.astype(jnp.int32), jnp.zeros((gb - _N,), jnp.int32)])
    table16 = jnp.pad(yolo_results, ((0, 0), (0, _GD - 5)))
    ys = _sc_gather(table16, idx_pad, gb, gb // nw, info.num_cores)[:_N, :5]
    pad_row = jnp.array([[0.0, 0.0, 0.0, 0.0, -1.0]], jnp.float32)
    ys_pad = jnp.concatenate(
        [ys, jnp.broadcast_to(pad_row, (_NP - _N, 5))], axis=0)
    scal = jnp.stack([jnp.float32(iou_threshold), jnp.float32(score_threshold)])
    return _nms_pallas(ys_pad, scal)

# --- scband reference (transcript-rebuilt; emitter-appended) ---
"""Pipeline reference for scband-post-processing-module-11879879543434 (READ-ONLY COPY).

The authoritative reference and input builder live on the scoring server;
editing this copy changes nothing except your own understanding.
"""

import jax, jax.numpy as jnp
import numpy as np

N = 20000


def setup_inputs(seed: int = 0) -> dict:
    key = jax.random.key(seed)
    k1, = jax.random.split(key, 1)
    yolo_results = jax.random.uniform(k1, (N, 5), dtype=jnp.float32)
    iou_threshold = jnp.float32(0.5)
    score_threshold = jnp.float32(0.25)
    return {
        "yolo_results": yolo_results,
        "iou_threshold": iou_threshold,
        "score_threshold": score_threshold,
    }


def _xywh_to_xyxy(b):
    cx, cy, w, h = b[:, 0], b[:, 1], b[:, 2], b[:, 3]
    return jnp.stack([cx - w / 2, cy - h / 2, cx + w / 2, cy + h / 2], axis=1)


@jax.jit
def _non_max_suppression(yolo, iou_thr, score_thr):
    boxes = _xywh_to_xyxy(yolo[:, :4])
    scores = yolo[:, 4]
    # sort candidates by score, descending (gather -> SparseCore friendly)
    order = jnp.argsort(-scores)
    b = boxes[order]
    s = scores[order]
    n = b.shape[0]
    areas = jnp.maximum(b[:, 2] - b[:, 0], 0.0) * jnp.maximum(b[:, 3] - b[:, 1], 0.0)
    idx = jnp.arange(n)
    # boxes below score threshold start out suppressed
    sup0 = s <= score_thr

    def body(i, sup):
        xx1 = jnp.maximum(b[i, 0], b[:, 0])
        yy1 = jnp.maximum(b[i, 1], b[:, 1])
        xx2 = jnp.minimum(b[i, 2], b[:, 2])
        yy2 = jnp.minimum(b[i, 3], b[:, 3])
        inter = jnp.maximum(xx2 - xx1, 0.0) * jnp.maximum(yy2 - yy1, 0.0)
        iou = inter / (areas[i] + areas - inter + 1e-9)
        alive_i = jnp.logical_not(sup[i])
        # greedy NMS: a kept box suppresses all lower-ranked boxes with IoU > thr
        return sup | (alive_i & (iou > iou_thr) & (idx > i))

    sup = jax.lax.fori_loop(0, n, body, sup0)
    keep = jnp.logical_not(sup)
    det = jnp.concatenate([b, s[:, None]], axis=1) * keep[:, None].astype(b.dtype)
    return det


def reference(yolo_results, iou_threshold, score_threshold):
    # detections sorted by score; suppressed rows are zeroed (static output shape)
    return _non_max_suppression(yolo_results, iou_threshold, score_threshold)

if __name__ == "__main__":
    import jax
    _d = setup_inputs()
    print(jax.jit(kernel)(*tuple(_d.values())))

</pallas_src>

<mosaic_0001>
#map = affine_map<(d0, d1) -> (0, 0)>
#map1 = affine_map<(d0, d1) -> (0)>
module attributes {stable_mosaic.version = 14 : i64} {
  func.func @gk(%arg0: i32, %arg1: i32, %arg2: memref<20000x128xf32, #tpu.memory_space<hbm>>, %arg3: memref<20224xi32, #tpu.memory_space<hbm>>, %arg4: memref<20224x128xf32, #tpu.memory_space<hbm>>, %arg5: memref<632xi32, #tpu.memory_space<vmem>>, %arg6: memref<632x128xf32, #tpu.memory_space<vmem>>, %arg7: memref<!tpu.dma_semaphore, #tpu.memory_space<semaphore_mem>>) attributes {dimension_semantics = [#tpu.dimension_semantics<core_parallel>, #tpu.dimension_semantics<subcore_parallel>], iteration_bounds = array<i64: 2, 16>, scalar_prefetch = 0 : i64, scratch_operands = 3 : i64, tpu.core_type = #tpu.core_type<sc_vector_subcore>, window_params = [{transform_indices = #map}, {transform_indices = #map1}, {transform_indices = #map}]} {
    %mul3A = arith.constant 2 : i32
    %mul3A_0 = arith.muli %arg1, %mul3A : i32
    %add3A = arith.addi %mul3A_0, %arg0 : i32
    %mul3A_1 = arith.constant 632 : i32
    %mul3A_2 = arith.muli %add3A, %mul3A_1 : i32
    "tpu.region"() ({
      %run_scoped3A = tpu.sem_alloc : memref<!tpu.dma_semaphore, #tpu.memory_space<semaphore_mem>>
      %dma_start3A_7 = tpu.memref_slice %arg3[%mul3A_2] : memref<20224xi32, #tpu.memory_space<hbm>> -> memref<632xi32, #tpu.memory_space<hbm>>
      %dma_start3A_8 = tpu.memref_slice %arg3[%mul3A_2] : memref<20224xi32, #tpu.memory_space<hbm>> -> memref<632xi32, #tpu.memory_space<hbm>>
      tpu.enqueue_dma source(%dma_start3A_8 : memref<632xi32, #tpu.memory_space<hbm>>) target(%arg5 : memref<632xi32, #tpu.memory_space<vmem>>) target_semaphore(%run_scoped3A : memref<!tpu.dma_semaphore, #tpu.memory_space<semaphore_mem>>)
      %dma_wait3A_9 = tpu.memref_slice %arg3[%mul3A_2] : memref<20224xi32, #tpu.memory_space<hbm>> -> memref<632xi32, #tpu.memory_space<hbm>>
      %dma_wait3A_10 = tpu.memref_slice %arg3[%mul3A_2] : memref<20224xi32, #tpu.memory_space<hbm>> -> memref<632xi32, #tpu.memory_space<hbm>>
      tpu.wait_dma2 semaphore(%run_scoped3A : memref<!tpu.dma_semaphore, #tpu.memory_space<semaphore_mem>>) src(%dma_wait3A_10 : memref<632xi32, #tpu.memory_space<hbm>>) dst(%arg5 : memref<632xi32, #tpu.memory_space<vmem>>)
      tpu.yield
    }) : () -> ()
    %dma_start3A = arith.constant 0 : i32
    %dma_start3A_3 = arith.constant 0 : i32
    %dma_start3A_4 = tpu.memref_slice %arg2[%dma_start3A, %dma_start3A_3] : memref<20000x128xf32, #tpu.memory_space<hbm>> -> memref<20000x128xf32, #tpu.memory_space<hbm>>
    tpu.enqueue_indirect_dma source(%dma_start3A_4 : memref<20000x128xf32, #tpu.memory_space<hbm>>) target(%arg6 : memref<632x128xf32, #tpu.memory_space<vmem>>) offsets(%arg5 : memref<632xi32, #tpu.memory_space<vmem>>) semaphore(%arg7 : memref<!tpu.dma_semaphore, #tpu.memory_space<semaphore_mem>>)
    %dma_wait3A = arith.constant 0 : i32
    %dma_wait3A_5 = arith.constant 0 : i32
    %dma_wait3A_6 = tpu.memref_slice %arg2[%dma_wait3A, %dma_wait3A_5] : memref<20000x128xf32, #tpu.memory_space<hbm>> -> memref<20000x128xf32, #tpu.memory_space<hbm>>
    tpu.wait_indirect_dma semaphore(%arg7 : memref<!tpu.dma_semaphore, #tpu.memory_space<semaphore_mem>>) src(%dma_wait3A_6 : memref<20000x128xf32, #tpu.memory_space<hbm>>) dst(%arg6 : memref<632x128xf32, #tpu.memory_space<vmem>>)
    "tpu.region"() ({
      %run_scoped3A = tpu.sem_alloc : memref<!tpu.dma_semaphore, #tpu.memory_space<semaphore_mem>>
      %dma_start3A_7 = arith.constant 0 : i32
      %dma_start3A_8 = tpu.memref_slice %arg4[%mul3A_2, %dma_start3A_7] : memref<20224x128xf32, #tpu.memory_space<hbm>> -> memref<632x128xf32, #tpu.memory_space<hbm>>
      %dma_start3A_9 = arith.constant 0 : i32
      %dma_start3A_10 = tpu.memref_slice %arg4[%mul3A_2, %dma_start3A_9] : memref<20224x128xf32, #tpu.memory_space<hbm>> -> memref<632x128xf32, #tpu.memory_space<hbm>>
      tpu.enqueue_dma source(%arg6 : memref<632x128xf32, #tpu.memory_space<vmem>>) target(%dma_start3A_10 : memref<632x128xf32, #tpu.memory_space<hbm>>) target_semaphore(%run_scoped3A : memref<!tpu.dma_semaphore, #tpu.memory_space<semaphore_mem>>)
      %dma_wait3A_11 = arith.constant 0 : i32
      %dma_wait3A_12 = tpu.memref_slice %arg4[%mul3A_2, %dma_wait3A_11] : memref<20224x128xf32, #tpu.memory_space<hbm>> -> memref<632x128xf32, #tpu.memory_space<hbm>>
      %dma_wait3A_13 = arith.constant 0 : i32
      %dma_wait3A_14 = tpu.memref_slice %arg4[%mul3A_2, %dma_wait3A_13] : memref<20224x128xf32, #tpu.memory_space<hbm>> -> memref<632x128xf32, #tpu.memory_space<hbm>>
      tpu.wait_dma2 semaphore(%run_scoped3A : memref<!tpu.dma_semaphore, #tpu.memory_space<semaphore_mem>>) src(%arg6 : memref<632x128xf32, #tpu.memory_space<vmem>>) dst(%dma_wait3A_14 : memref<632x128xf32, #tpu.memory_space<hbm>>)
      tpu.yield
    }) : () -> ()
    return
  }
}

module attributes {stable_mosaic.version = 14 : i64} {
  func.func @_nms_body(%arg0: memref<2xf32, #tpu.memory_space<smem>>, %arg1: memref<5x20x1x1024xf32, #tpu.memory_space<vmem>>, %arg2: memref<4x1024x128xf32, #tpu.memory_space<vmem>>, %arg3: memref<5x20x1x1024xf32, #tpu.memory_space<vmem>>, %arg4: memref<5x20x1x1024xf32, #tpu.memory_space<vmem>>, %arg5: memref<5x1024x128xf32, #tpu.memory_space<vmem>>, %arg6: memref<20x1x1024xf32, #tpu.memory_space<vmem>>, %arg7: memref<5x80x1x256xf32, #tpu.memory_space<vmem>>, %arg8: memref<1xi32, #tpu.memory_space<smem>>) attributes {dimension_semantics = [], scalar_prefetch = 0 : i64, scratch_operands = 5 : i64, tpu.core_type = #tpu.core_type<tc>} {
    %get3A = arith.constant 0 : index
    %get3A_0 = memref.load %arg0[%get3A] : memref<2xf32, #tpu.memory_space<smem>>
    %get3A_1 = arith.constant 1 : index
    %get3A_2 = memref.load %arg0[%get3A_1] : memref<2xf32, #tpu.memory_space<smem>>
    %broadcast_in_dim3A = arith.constant 0.000000e+00 : f32
    %broadcast_in_dim3A_3 = vector.broadcast %broadcast_in_dim3A : f32 to vector<5x80x1x256xf32>
    %swap3A = arith.constant 0 : index
    %swap3A_4 = arith.constant 0 : index
    %swap3A_5 = arith.constant 0 : index
    %swap3A_6 = arith.constant 0 : index
    %swap3A_7 = vector.load %arg7[%swap3A, %swap3A_4, %swap3A_5, %swap3A_6] : memref<5x80x1x256xf32, #tpu.memory_space<vmem>>, vector<5x80x1x256xf32>
    tpu.vector_store %arg7[%swap3A, %swap3A_4, %swap3A_5, %swap3A_6], %broadcast_in_dim3A_3 {strides = array<i32>} : memref<5x80x1x256xf32, #tpu.memory_space<vmem>>, vector<5x80x1x256xf32>,
    %swap3A_8 = arith.constant 0 : i32
    %swap3A_9 = arith.constant 0 : index
    %swap3A_10 = memref.load %arg8[%swap3A_9] : memref<1xi32, #tpu.memory_space<smem>>
    memref.store %swap3A_8, %arg8[%swap3A_9] : memref<1xi32, #tpu.memory_space<smem>>
    %get3A_11 = arith.constant 0 : index
    %get3A_12 = arith.constant 0 : index
    %get3A_13 = arith.constant 0 : index
    %get3A_14 = arith.constant 0 : index
    %get3A_15 = vector.load %arg1[%get3A_11, %get3A_12, %get3A_13, %get3A_14] : memref<5x20x1x1024xf32, #tpu.memory_space<vmem>>, vector<1x20x1x1024xf32>
    %get3A_16 = vector.shape_cast %get3A_15 : vector<1x20x1x1024xf32> to vector<20x1x1024xf32>
    %get3A_17 = arith.constant 1 : index
    %get3A_18 = arith.constant 0 : index
    %get3A_19 = arith.constant 0 : index
    %get3A_20 = arith.constant 0 : index
    %get3A_21 = vector.load %arg1[%get3A_17, %get3A_18, %get3A_19, %get3A_20] : memref<5x20x1x1024xf32, #tpu.memory_space<vmem>>, vector<1x20x1x1024xf32>
    %get3A_22 = vector.shape_cast %get3A_21 : vector<1x20x1x1024xf32> to vector<20x1x1024xf32>
    %get3A_23 = arith.constant 2 : index
    %get3A_24 = arith.constant 0 : index
    %get3A_25 = arith.constant 0 : index
    %get3A_26 = arith.constant 0 : index
    %get3A_27 = vector.load %arg1[%get3A_23, %get3A_24, %get3A_25, %get3A_26] : memref<5x20x1x1024xf32, #tpu.memory_space<vmem>>, vector<1x20x1x1024xf32>
    %get3A_28 = vector.shape_cast %get3A_27 : vector<1x20x1x1024xf32> to vector<20x1x1024xf32>
    %get3A_29 = arith.constant 3 : index
    %get3A_30 = arith.constant 0 : index
    %get3A_31 = arith.constant 0 : index
    %get3A_32 = arith.constant 0 : index
    %get3A_33 = vector.load %arg1[%get3A_29, %get3A_30, %get3A_31, %get3A_32] : memref<5x20x1x1024xf32, #tpu.memory_space<vmem>>, vector<1x20x1x1024xf32>
    %get3A_34 = vector.shape_cast %get3A_33 : vector<1x20x1x1024xf32> to vector<20x1x1024xf32>
    %get3A_35 = arith.constant 4 : index
    %get3A_36 = arith.constant 0 : index
    %get3A_37 = arith.constant 0 : index
    %get3A_38 = arith.constant 0 : index
    %get3A_39 = vector.load %arg1[%get3A_35, %get3A_36, %get3A_37, %get3A_38] : memref<5x20x1x1024xf32, #tpu.memory_space<vmem>>, vector<1x20x1x1024xf32>
    %get3A_40 = vector.shape_cast %get3A_39 : vector<1x20x1x1024xf32> to vector<20x1x1024xf32>
    %div3A = arith.constant 2.000000e+00 : f32
    %div3A_41 = vector.broadcast %div3A : f32 to vector<20x1x1024xf32>
    %div3A_42 = arith.divf %get3A_28, %div3A_41 : vector<20x1x1024xf32>
    %sub3A = arith.subf %get3A_16, %div3A_42 : vector<20x1x1024xf32>
    %div3A_43 = arith.constant 2.000000e+00 : f32
    %div3A_44 = vector.broadcast %div3A_43 : f32 to vector<20x1x1024xf32>
    %div3A_45 = arith.divf %get3A_34, %div3A_44 : vector<20x1x1024xf32>
    %sub3A_46 = arith.subf %get3A_22, %div3A_45 : vector<20x1x1024xf32>
    %div3A_47 = arith.constant 2.000000e+00 : f32
    %div3A_48 = vector.broadcast %div3A_47 : f32 to vector<20x1x1024xf32>
    %div3A_49 = arith.divf %get3A_28, %div3A_48 : vector<20x1x1024xf32>
    %add3A = arith.addf %get3A_16, %div3A_49 : vector<20x1x1024xf32>
    %div3A_50 = arith.constant 2.000000e+00 : f32
    %div3A_51 = vector.broadcast %div3A_50 : f32 to vector<20x1x1024xf32>
    %div3A_52 = arith.divf %get3A_34, %div3A_51 : vector<20x1x1024xf32>
    %add3A_53 = arith.addf %get3A_22, %div3A_52 : vector<20x1x1024xf32>
    %sub3A_54 = arith.subf %add3A, %sub3A : vector<20x1x1024xf32>
    %max3A = arith.constant 0.000000e+00 : f32
    %max3A_55 = vector.broadcast %max3A : f32 to vector<20x1x1024xf32>
    %max3A_56 = arith.maximumf %sub3A_54, %max3A_55 : vector<20x1x1024xf32>
    %sub3A_57 = arith.subf %add3A_53, %sub3A_46 : vector<20x1x1024xf32>
    %max3A_58 = arith.constant 0.000000e+00 : f32
    %max3A_59 = vector.broadcast %max3A_58 : f32 to vector<20x1x1024xf32>
    %max3A_60 = arith.maximumf %sub3A_57, %max3A_59 : vector<20x1x1024xf32>
    %mul3A = arith.mulf %max3A_56, %max3A_60 : vector<20x1x1024xf32>
    %swap3A_61 = arith.constant 0 : index
    %swap3A_62 = arith.constant 0 : index
    %swap3A_63 = arith.constant 0 : index
    %swap3A_64 = arith.constant 0 : index
    %swap3A_65 = vector.load %arg4[%swap3A_61, %swap3A_62, %swap3A_63, %swap3A_64] : memref<5x20x1x1024xf32, #tpu.memory_space<vmem>>, vector<1x20x1x1024xf32>
    %swap3A_66 = vector.shape_cast %swap3A_65 : vector<1x20x1x1024xf32> to vector<20x1x1024xf32>
    %swap3A_67 = vector.shape_cast %sub3A : vector<20x1x1024xf32> to vector<1x20x1x1024xf32>
    tpu.vector_store %arg4[%swap3A_61, %swap3A_62, %swap3A_63, %swap3A_64], %swap3A_67 {strides = array<i32>} : memref<5x20x1x1024xf32, #tpu.memory_space<vmem>>, vector<1x20x1x1024xf32>,
    %swap3A_68 = arith.constant 1 : index
    %swap3A_69 = arith.constant 0 : index
    %swap3A_70 = arith.constant 0 : index
    %swap3A_71 = arith.constant 0 : index
    %swap3A_72 = vector.load %arg4[%swap3A_68, %swap3A_69, %swap3A_70, %swap3A_71] : memref<5x20x1x1024xf32, #tpu.memory_space<vmem>>, vector<1x20x1x1024xf32>
    %swap3A_73 = vector.shape_cast %swap3A_72 : vector<1x20x1x1024xf32> to vector<20x1x1024xf32>
    %swap3A_74 = vector.shape_cast %sub3A_46 : vector<20x1x1024xf32> to vector<1x20x1x1024xf32>
    tpu.vector_store %arg4[%swap3A_68, %swap3A_69, %swap3A_70, %swap3A_71], %swap3A_74 {strides = array<i32>} : memref<5x20x1x1024xf32, #tpu.memory_space<vmem>>, vector<1x20x1x1024xf32>,
    %swap3A_75 = arith.constant 2 : index
    %swap3A_76 = arith.constant 0 : index
    %swap3A_77 = arith.constant 0 : index
    %swap3A_78 = arith.constant 0 : index
    %swap3A_79 = vector.load %arg4[%swap3A_75, %swap3A_76, %swap3A_77, %swap3A_78] : memref<5x20x1x1024xf32, #tpu.memory_space<vmem>>, vector<1x20x1x1024xf32>
    %swap3A_80 = vector.shape_cast %swap3A_79 : vector<1x20x1x1024xf32> to vector<20x1x1024xf32>
    %swap3A_81 = vector.shape_cast %add3A : vector<20x1x1024xf32> to vector<1x20x1x1024xf32>
    tpu.vector_store %arg4[%swap3A_75, %swap3A_76, %swap3A_77, %swap3A_78], %swap3A_81 {strides = array<i32>} : memref<5x20x1x1024xf32, #tpu.memory_space<vmem>>, vector<1x20x1x1024xf32>,
    %swap3A_82 = arith.constant 3 : index
    %swap3A_83 = arith.constant 0 : index
    %swap3A_84 = arith.constant 0 : index
    %swap3A_85 = arith.constant 0 : index
    %swap3A_86 = vector.load %arg4[%swap3A_82, %swap3A_83, %swap3A_84, %swap3A_85] : memref<5x20x1x1024xf32, #tpu.memory_space<vmem>>, vector<1x20x1x1024xf32>
    %swap3A_87 = vector.shape_cast %swap3A_86 : vector<1x20x1x1024xf32> to vector<20x1x1024xf32>
    %swap3A_88 = vector.shape_cast %add3A_53 : vector<20x1x1024xf32> to vector<1x20x1x1024xf32>
    tpu.vector_store %arg4[%swap3A_82, %swap3A_83, %swap3A_84, %swap3A_85], %swap3A_88 {strides = array<i32>} : memref<5x20x1x1024xf32, #tpu.memory_space<vmem>>, vector<1x20x1x1024xf32>,
    %swap3A_89 = arith.constant 4 : index
    %swap3A_90 = arith.constant 0 : index
    %swap3A_91 = arith.constant 0 : index
    %swap3A_92 = arith.constant 0 : index
    %swap3A_93 = vector.load %arg4[%swap3A_89, %swap3A_90, %swap3A_91, %swap3A_92] : memref<5x20x1x1024xf32, #tpu.memory_space<vmem>>, vector<1x20x1x1024xf32>
    %swap3A_94 = vector.shape_cast %swap3A_93 : vector<1x20x1x1024xf32> to vector<20x1x1024xf32>
    %swap3A_95 = vector.shape_cast %mul3A : vector<20x1x1024xf32> to vector<1x20x1x1024xf32>
    tpu.vector_store %arg4[%swap3A_89, %swap3A_90, %swap3A_91, %swap3A_92], %swap3A_95 {strides = array<i32>} : memref<5x20x1x1024xf32, #tpu.memory_space<vmem>>, vector<1x20x1x1024xf32>,
    %get3A_96 = arith.constant 0 : index
    %get3A_97 = arith.constant 0 : index
    %get3A_98 = arith.constant 0 : index
    %get3A_99 = vector.load %arg2[%get3A_96, %get3A_97, %get3A_98] : memref<4x1024x128xf32, #tpu.memory_space<vmem>>, vector<1x1024x128xf32>
    %get3A_100 = vector.shape_cast %get3A_99 : vector<1x1024x128xf32> to vector<1024x128xf32>
    %get3A_101 = arith.constant 1 : index
    %get3A_102 = arith.constant 0 : index
    %get3A_103 = arith.constant 0 : index
    %get3A_104 = vector.load %arg2[%get3A_101, %get3A_102, %get3A_103] : memref<4x1024x128xf32, #tpu.memory_space<vmem>>, vector<1x1024x128xf32>
    %get3A_105 = vector.shape_cast %get3A_104 : vector<1x1024x128xf32> to vector<1024x128xf32>
    %get3A_106 = arith.constant 2 : index
    %get3A_107 = arith.constant 0 : index
    %get3A_108 = arith.constant 0 : index
    %get3A_109 = vector.load %arg2[%get3A_106, %get3A_107, %get3A_108] : memref<4x1024x128xf32, #tpu.memory_space<vmem>>, vector<1x1024x128xf32>
    %get3A_110 = vector.shape_cast %get3A_109 : vector<1x1024x128xf32> to vector<1024x128xf32>
    %get3A_111 = arith.constant 3 : index
    %get3A_112 = arith.constant 0 : index
    %get3A_113 = arith.constant 0 : index
    %get3A_114 = vector.load %arg2[%get3A_111, %get3A_112, %get3A_113] : memref<4x1024x128xf32, #tpu.memory_space<vmem>>, vector<1x1024x128xf32>
    %get3A_115 = vector.shape_cast %get3A_114 : vector<1x1024x128xf32> to vector<1024x128xf32>
    %div3A_116 = arith.constant 2.000000e+00 : f32
    %div3A_117 = vector.broadcast %div3A_116 : f32 to vector<1024x128xf32>
    %div3A_118 = arith.divf %get3A_110, %div3A_117 : vector<1024x128xf32>
    %sub3A_119 = arith.subf %get3A_100, %div3A_118 : vector<1024x128xf32>
    %div3A_120 = arith.constant 2.000000e+00 : f32
    %div3A_121 = vector.broadcast %div3A_120 : f32 to vector<1024x128xf32>
    %div3A_122 = arith.divf %get3A_115, %div3A_121 : vector<1024x128xf32>
    %sub3A_123 = arith.subf %get3A_105, %div3A_122 : vector<1024x128xf32>
    %div3A_124 = arith.constant 2.000000e+00 : f32
    %div3A_125 = vector.broadcast %div3A_124 : f32 to vector<1024x128xf32>
    %div3A_126 = arith.divf %get3A_110, %div3A_125 : vector<1024x128xf32>
    %add3A_127 = arith.addf %get3A_100, %div3A_126 : vector<1024x128xf32>
    %div3A_128 = arith.constant 2.000000e+00 : f32
    %div3A_129 = vector.broadcast %div3A_128 : f32 to vector<1024x128xf32>
    %div3A_130 = arith.divf %get3A_115, %div3A_129 : vector<1024x128xf32>
    %add3A_131 = arith.addf %get3A_105, %div3A_130 : vector<1024x128xf32>
    %swap3A_132 = arith.constant 0 : index
    %swap3A_133 = arith.constant 0 : index
    %swap3A_134 = arith.constant 0 : index
    %swap3A_135 = vector.load %arg5[%swap3A_132, %swap3A_133, %swap3A_134] : memref<5x1024x128xf32, #tpu.memory_space<vmem>>, vector<1x1024x128xf32>
    %swap3A_136 = vector.shape_cast %swap3A_135 : vector<1x1024x128xf32> to vector<1024x128xf32>
    %swap3A_137 = vector.shape_cast %sub3A_119 : vector<1024x128xf32> to vector<1x1024x128xf32>
    tpu.vector_store %arg5[%swap3A_132, %swap3A_133, %swap3A_134], %swap3A_137 {strides = array<i32>} : memref<5x1024x128xf32, #tpu.memory_space<vmem>>, vector<1x1024x128xf32>,
    %swap3A_138 = arith.constant 1 : index
    %swap3A_139 = arith.constant 0 : index
    %swap3A_140 = arith.constant 0 : index
    %swap3A_141 = vector.load %arg5[%swap3A_138, %swap3A_139, %swap3A_140] : memref<5x1024x128xf32, #tpu.memory_space<vmem>>, vector<1x1024x128xf32>
    %swap3A_142 = vector.shape_cast %swap3A_141 : vector<1x1024x128xf32> to vector<1024x128xf32>
    %swap3A_143 = vector.shape_cast %sub3A_123 : vector<1024x128xf32> to vector<1x1024x128xf32>
    tpu.vector_store %arg5[%swap3A_138, %swap3A_139, %swap3A_140], %swap3A_143 {strides = array<i32>} : memref<5x1024x128xf32, #tpu.memory_space<vmem>>, vector<1x1024x128xf32>,
    %swap3A_144 = arith.constant 2 : index
    %swap3A_145 = arith.constant 0 : index
    %swap3A_146 = arith.constant 0 : index
    %swap3A_147 = vector.load %arg5[%swap3A_144, %swap3A_145, %swap3A_146] : memref<5x1024x128xf32, #tpu.memory_space<vmem>>, vector<1x1024x128xf32>
    %swap3A_148 = vector.shape_cast %swap3A_147 : vector<1x1024x128xf32> to vector<1024x128xf32>
    %swap3A_149 = vector.shape_cast %add3A_127 : vector<1024x128xf32> to vector<1x1024x128xf32>
    tpu.vector_store %arg5[%swap3A_144, %swap3A_145, %swap3A_146], %swap3A_149 {strides = array<i32>} : memref<5x1024x128xf32, #tpu.memory_space<vmem>>, vector<1x1024x128xf32>,
    %swap3A_150 = arith.constant 3 : index
    %swap3A_151 = arith.constant 0 : index
    %swap3A_152 = arith.constant 0 : index
    %swap3A_153 = vector.load %arg5[%swap3A_150, %swap3A_151, %swap3A_152] : memref<5x1024x128xf32, #tpu.memory_space<vmem>>, vector<1x1024x128xf32>
    %swap3A_154 = vector.shape_cast %swap3A_153 : vector<1x1024x128xf32> to vector<1024x128xf32>
    %swap3A_155 = vector.shape_cast %add3A_131 : vector<1024x128xf32> to vector<1x1024x128xf32>
    tpu.vector_store %arg5[%swap3A_150, %swap3A_151, %swap3A_152], %swap3A_155 {strides = array<i32>} : memref<5x1024x128xf32, #tpu.memory_space<vmem>>, vector<1x1024x128xf32>,
    %sub3A_156 = arith.subf %add3A_127, %sub3A_119 : vector<1024x128xf32>
    %max3A_157 = arith.constant 0.000000e+00 : f32
    %max3A_158 = vector.broadcast %max3A_157 : f32 to vector<1024x128xf32>
    %max3A_159 = arith.maximumf %sub3A_156, %max3A_158 : vector<1024x128xf32>
    %sub3A_160 = arith.subf %add3A_131, %sub3A_123 : vector<1024x128xf32>
    %max3A_161 = arith.constant 0.000000e+00 : f32
    %max3A_162 = vector.broadcast %max3A_161 : f32 to vector<1024x128xf32>
    %max3A_163 = arith.maximumf %sub3A_160, %max3A_162 : vector<1024x128xf32>
    %mul3A_164 = arith.mulf %max3A_159, %max3A_163 : vector<1024x128xf32>
    %swap3A_165 = arith.constant 4 : index
    %swap3A_166 = arith.constant 0 : index
    %swap3A_167 = arith.constant 0 : index
    %swap3A_168 = vector.load %arg5[%swap3A_165, %swap3A_166, %swap3A_167] : memref<5x1024x128xf32, #tpu.memory_space<vmem>>, vector<1x1024x128xf32>
    %swap3A_169 = vector.shape_cast %swap3A_168 : vector<1x1024x128xf32> to vector<1024x128xf32>
    %swap3A_170 = vector.shape_cast %mul3A_164 : vector<1024x128xf32> to vector<1x1024x128xf32>
    tpu.vector_store %arg5[%swap3A_165, %swap3A_166, %swap3A_167], %swap3A_170 {strides = array<i32>} : memref<5x1024x128xf32, #tpu.memory_space<vmem>>, vector<1x1024x128xf32>,
    %le3A = vector.broadcast %get3A_2 : f32 to vector<20x1x1024xf32>
    %le3A_171 = arith.cmpf ole, %get3A_40, %le3A : vector<20x1x1024xf32>
    %convert_element_type3A = arith.extui %le3A_171 : vector<20x1x1024xi1> to vector<20x1x1024xi32>
    %convert_element_type3A_172 = arith.sitofp %convert_element_type3A : vector<20x1x1024xi32> to vector<20x1x1024xf32>
    %swap3A_173 = arith.constant 0 : index
    %swap3A_174 = arith.constant 0 : index
    %swap3A_175 = arith.constant 0 : index
    %swap3A_176 = vector.load %arg6[%swap3A_173, %swap3A_174, %swap3A_175] : memref<20x1x1024xf32, #tpu.memory_space<vmem>>, vector<20x1x1024xf32>
    tpu.vector_store %arg6[%swap3A_173, %swap3A_174, %swap3A_175], %convert_element_type3A_172 {strides = array<i32>} : memref<20x1x1024xf32, #tpu.memory_space<vmem>>, vector<20x1x1024xf32>,
    %gt3A = vector.broadcast %get3A_2 : f32 to vector<20x1x1024xf32>
    %gt3A_177 = arith.cmpf ogt, %get3A_40, %gt3A : vector<20x1x1024xf32>
    %convert_element_type3A_178 = arith.extui %gt3A_177 : vector<20x1x1024xi1> to vector<20x1x1024xi32>
    %reduce_sum3A = vector.shape_cast %convert_element_type3A_178 : vector<20x1x1024xi32> to vector<1x20x1x1024xi32>
    %reduce_sum3A_179 = arith.constant dense<0> : vector<1xi32>
    %reduce_sum3A_180 = vector.multi_reduction <add>, %reduce_sum3A, %reduce_sum3A_179 [1, 2, 3] : vector<1x20x1x1024xi32> to vector<1xi32>
    %reduce_sum3A_181 = vector.shape_cast %reduce_sum3A_180 : vector<1xi32> to vector<1x1x1x1xi32>
    %reduce_sum3A_182 = vector.extract %reduce_sum3A_181[0, 0, 0, 0] : i32 from vector<1x1x1x1xi32>
    %add3A_183 = arith.constant 1024 : i32
    %add3A_184 = arith.addi %reduce_sum3A_182, %add3A_183 : i32
    %sub3A_185 = arith.constant 1 : i32
    %sub3A_186 = arith.subi %add3A_184, %sub3A_185 : i32
    %jit3A = arith.constant 1024 : i32
    %div3A_187 = arith.divsi %sub3A_186, %jit3A : i32
    %sign3A = arith.constant 0 : i32
    %sign3A_188 = arith.cmpi sgt, %sub3A_186, %sign3A : i32
    %sign3A_189 = arith.extui %sign3A_188 : i1 to i32
    %sign3A_190 = arith.constant 0 : i32
    %sign3A_191 = arith.cmpi slt, %sub3A_186, %sign3A_190 : i32
    %sign3A_192 = arith.extui %sign3A_191 : i1 to i32
    %sign3A_193 = arith.subi %sign3A_189, %sign3A_192 : i32
    %sign3A_194 = arith.constant 0 : i32
    %sign3A_195 = arith.cmpi sgt, %jit3A, %sign3A_194 : i32
    %sign3A_196 = arith.extui %sign3A_195 : i1 to i32
    %sign3A_197 = arith.constant 0 : i32
    %sign3A_198 = arith.cmpi slt, %jit3A, %sign3A_197 : i32
    %sign3A_199 = arith.extui %sign3A_198 : i1 to i32
    %sign3A_200 = arith.subi %sign3A_196, %sign3A_199 : i32
    %ne3A = arith.cmpi ne, %sign3A_193, %sign3A_200 : i32
    %rem3A = arith.remsi %sub3A_186, %jit3A : i32
    %ne3A_201 = arith.constant 0 : i32
    %ne3A_202 = arith.cmpi ne, %rem3A, %ne3A_201 : i32
    %and3A = arith.andi %ne3A, %ne3A_202 : i1
    %sub3A_203 = arith.constant 1 : i32
    %sub3A_204 = arith.subi %div3A_187, %sub3A_203 : i32
    %select_n3A = arith.select %and3A, %sub3A_204, %div3A_187 : i32
    %iota3A = tpu.iota {dimensions = array<i32: 0>} : vector<1024x1024xi32>
    %iota3A_205 = tpu.iota {dimensions = array<i32: 1>} : vector<1024x1024xi32>
    %gt3A_206 = arith.cmpi sgt, %iota3A_205, %iota3A : vector<1024x1024xi32>
    %convert_element_type3A_207 = arith.extui %gt3A_206 : vector<1024x1024xi1> to vector<1024x1024xi32>
    %convert_element_type3A_208 = arith.sitofp %convert_element_type3A_207 : vector<1024x1024xi32> to vector<1024x1024xf32>
    %eq3A = arith.cmpi eq, %iota3A_205, %iota3A : vector<1024x1024xi32>
    %convert_element_type3A_209 = arith.extui %eq3A : vector<1024x1024xi1> to vector<1024x1024xi32>
    %convert_element_type3A_210 = arith.sitofp %convert_element_type3A_209 : vector<1024x1024xi32> to vector<1024x1024xf32>
    %lt3A = arith.cmpi slt, %iota3A_205, %iota3A : vector<1024x1024xi32>
    %convert_element_type3A_211 = arith.extui %lt3A : vector<1024x1024xi1> to vector<1024x1024xi32>
    %convert_element_type3A_212 = arith.sitofp %convert_element_type3A_211 : vector<1024x1024xi32> to vector<1024x1024xf32>
    %iota3A_213 = tpu.iota {dimensions = array<i32: 1>} : vector<1024x256xi32>
    %convert_element_type3A_214 = arith.sitofp %iota3A_213 : vector<1024x256xi32> to vector<1024x256xf32>
    %iota3A_215 = tpu.iota {dimensions = array<i32: 1>} : vector<1x128xi32>
    %while3A = arith.constant 0 : i32
    %while3A_216 = arith.constant 0 : i32
    %while3A_217 = arith.subi %select_n3A, %while3A : i32
    %while3A_218 = arith.addi %while3A, %while3A_217 : i32
    %while3A_219 = arith.constant 1 : i32
    %while3A_220 = arith.divsi %while3A_217, %while3A_219 : i32
    %while3A_221 = arith.muli %while3A_220, %while3A_219 : i32
    %while3A_222 = arith.addi %while3A, %while3A_221 : i32
    %while3A_223 = arith.constant 1 : i32
    %while3A_224 = scf.for %while3A_298 = %while3A to %while3A_222 step %while3A_223 iter_args(%while3A_299 = %while3A_216) -> (i32)  : i32 {
      %eq3A_300 = vector.broadcast %while3A_298 : i32 to vector<1x128xi32>
      %eq3A_301 = arith.cmpi eq, %iota3A_215, %eq3A_300 : vector<1x128xi32>
      %convert_element_type3A_302 = arith.extui %eq3A_301 : vector<1x128xi1> to vector<1x128xi32>
      %convert_element_type3A_303 = arith.sitofp %convert_element_type3A_302 : vector<1x128xi32> to vector<1x128xf32>
      %get3A_304 = arith.constant 0 : index
      %get3A_305 = arith.constant 0 : index
      %get3A_306 = arith.constant 0 : index
      %get3A_307 = vector.load %arg5[%get3A_304, %get3A_305, %get3A_306] : memref<5x1024x128xf32, #tpu.memory_space<vmem>>, vector<1x1024x128xf32>
      %get3A_308 = vector.shape_cast %get3A_307 : vector<1x1024x128xf32> to vector<1024x128xf32>
      %mul3A_309 = vector.broadcast %convert_element_type3A_303 : vector<1x128xf32> to vector<1024x128xf32>
      %mul3A_310 = arith.mulf %get3A_308, %mul3A_309 : vector<1024x128xf32>
      %reduce_sum3A_311 = arith.constant dense<0.000000e+00> : vector<1024xf32>
      %reduce_sum3A_312 = vector.multi_reduction <add>, %mul3A_310, %reduce_sum3A_311 [1] : vector<1024x128xf32> to vector<1024xf32>
      %broadcast_in_dim3A_313 = vector.shape_cast %reduce_sum3A_312 : vector<1024xf32> to vector<1024x1xf32>
      %get3A_314 = arith.constant 1 : index
      %get3A_315 = arith.constant 0 : index
      %get3A_316 = arith.constant 0 : index
      %get3A_317 = vector.load %arg5[%get3A_314, %get3A_315, %get3A_316] : memref<5x1024x128xf32, #tpu.memory_space<vmem>>, vector<1x1024x128xf32>
      %get3A_318 = vector.shape_cast %get3A_317 : vector<1x1024x128xf32> to vector<1024x128xf32>
      %mul3A_319 = vector.broadcast %convert_element_type3A_303 : vector<1x128xf32> to vector<1024x128xf32>
      %mul3A_320 = arith.mulf %get3A_318, %mul3A_319 : vector<1024x128xf32>
      %reduce_sum3A_321 = arith.constant dense<0.000000e+00> : vector<1024xf32>
      %reduce_sum3A_322 = vector.multi_reduction <add>, %mul3A_320, %reduce_sum3A_321 [1] : vector<1024x128xf32> to vector<1024xf32>
      %broadcast_in_dim3A_323 = vector.shape_cast %reduce_sum3A_322 : vector<1024xf32> to vector<1024x1xf32>
      %get3A_324 = arith.constant 2 : index
      %get3A_325 = arith.constant 0 : index
      %get3A_326 = arith.constant 0 : index
      %get3A_327 = vector.load %arg5[%get3A_324, %get3A_325, %get3A_326] : memref<5x1024x128xf32, #tpu.memory_space<vmem>>, vector<1x1024x128xf32>
      %get3A_328 = vector.shape_cast %get3A_327 : vector<1x1024x128xf32> to vector<1024x128xf32>
      %mul3A_329 = vector.broadcast %convert_element_type3A_303 : vector<1x128xf32> to vector<1024x128xf32>
      %mul3A_330 = arith.mulf %get3A_328, %mul3A_329 : vector<1024x128xf32>
      %reduce_sum3A_331 = arith.constant dense<0.000000e+00> : vector<1024xf32>
      %reduce_sum3A_332 = vector.multi_reduction <add>, %mul3A_330, %reduce_sum3A_331 [1] : vector<1024x128xf32> to vector<1024xf32>
      %broadcast_in_dim3A_333 = vector.shape_cast %reduce_sum3A_332 : vector<1024xf32> to vector<1024x1xf32>
      %get3A_334 = arith.constant 3 : index
      %get3A_335 = arith.constant 0 : index
      %get3A_336 = arith.constant 0 : index
      %get3A_337 = vector.load %arg5[%get3A_334, %get3A_335, %get3A_336] : memref<5x1024x128xf32, #tpu.memory_space<vmem>>, vector<1x1024x128xf32>
      %get3A_338 = vector.shape_cast %get3A_337 : vector<1x1024x128xf32> to vector<1024x128xf32>
      %mul3A_339 = vector.broadcast %convert_element_type3A_303 : vector<1x128xf32> to vector<1024x128xf32>
      %mul3A_340 = arith.mulf %get3A_338, %mul3A_339 : vector<1024x128xf32>
      %reduce_sum3A_341 = arith.constant dense<0.000000e+00> : vector<1024xf32>
      %reduce_sum3A_342 = vector.multi_reduction <add>, %mul3A_340, %reduce_sum3A_341 [1] : vector<1024x128xf32> to vector<1024xf32>
      %broadcast_in_dim3A_343 = vector.shape_cast %reduce_sum3A_342 : vector<1024xf32> to vector<1024x1xf32>
      %get3A_344 = arith.constant 4 : index
      %get3A_345 = arith.constant 0 : index
      %get3A_346 = arith.constant 0 : index
      %get3A_347 = vector.load %arg5[%get3A_344, %get3A_345, %get3A_346] : memref<5x1024x128xf32, #tpu.memory_space<vmem>>, vector<1x1024x128xf32>
      %get3A_348 = vector.shape_cast %get3A_347 : vector<1x1024x128xf32> to vector<1024x128xf32>
      %mul3A_349 = vector.broadcast %convert_element_type3A_303 : vector<1x128xf32> to vector<1024x128xf32>
      %mul3A_350 = arith.mulf %get3A_348, %mul3A_349 : vector<1024x128xf32>
      %reduce_sum3A_351 = arith.constant dense<0.000000e+00> : vector<1024xf32>
      %reduce_sum3A_352 = vector.multi_reduction <add>, %mul3A_350, %reduce_sum3A_351 [1] : vector<1024x128xf32> to vector<1024xf32>
      %broadcast_in_dim3A_353 = vector.shape_cast %reduce_sum3A_352 : vector<1024xf32> to vector<1024x1xf32>
      %get3A_354 = arith.constant 0 : index
      %get3A_355 = memref.load %arg8[%get3A_354] : memref<1xi32, #tpu.memory_space<smem>>
      %add3A_356 = arith.constant 256 : i32
      %add3A_357 = arith.addi %get3A_355, %add3A_356 : i32
      %sub3A_358 = arith.constant 1 : i32
      %sub3A_359 = arith.subi %add3A_357, %sub3A_358 : i32
      %jit3A_360 = arith.constant 256 : i32
      %div3A_361 = arith.divsi %sub3A_359, %jit3A_360 : i32
      %sign3A_362 = arith.constant 0 : i32
      %sign3A_363 = arith.cmpi sgt, %sub3A_359, %sign3A_362 : i32
      %sign3A_364 = arith.extui %sign3A_363 : i1 to i32
      %sign3A_365 = arith.constant 0 : i32
      %sign3A_366 = arith.cmpi slt, %sub3A_359, %sign3A_365 : i32
      %sign3A_367 = arith.extui %sign3A_366 : i1 to i32
      %sign3A_368 = arith.subi %sign3A_364, %sign3A_367 : i32
      %sign3A_369 = arith.constant 0 : i32
      %sign3A_370 = arith.cmpi sgt, %jit3A_360, %sign3A_369 : i32
      %sign3A_371 = arith.extui %sign3A_370 : i1 to i32
      %sign3A_372 = arith.constant 0 : i32
      %sign3A_373 = arith.cmpi slt, %jit3A_360, %sign3A_372 : i32
      %sign3A_374 = arith.extui %sign3A_373 : i1 to i32
      %sign3A_375 = arith.subi %sign3A_371, %sign3A_374 : i32
      %ne3A_376 = arith.cmpi ne, %sign3A_368, %sign3A_375 : i32
      %rem3A_377 = arith.remsi %sub3A_359, %jit3A_360 : i32
      %ne3A_378 = arith.constant 0 : i32
      %ne3A_379 = arith.cmpi ne, %rem3A_377, %ne3A_378 : i32
      %and3A_380 = arith.andi %ne3A_376, %ne3A_379 : i1
      %sub3A_381 = arith.constant 1 : i32
      %sub3A_382 = arith.subi %div3A_361, %sub3A_381 : i32
      %select_n3A_383 = arith.select %and3A_380, %sub3A_382, %div3A_361 : i32
      %broadcast_in_dim3A_384 = arith.constant 0.000000e+00 : f32
      %broadcast_in_dim3A_385 = vector.broadcast %broadcast_in_dim3A_384 : f32 to vector<1024x1xf32>
      %while3A_386 = arith.constant 0 : i32
      %while3A_387 = arith.subi %select_n3A_383, %while3A_386 : i32
      %while3A_388 = arith.addi %while3A_386, %while3A_387 : i32
      %while3A_389 = arith.constant 1 : i32
      %while3A_390 = arith.divsi %while3A_387, %while3A_389 : i32
      %while3A_391 = arith.muli %while3A_390, %while3A_389 : i32
      %while3A_392 = arith.addi %while3A_386, %while3A_391 : i32
      %while3A_393 = arith.constant 1 : i32
      %while3A_394 = scf.for %while3A_574 = %while3A_386 to %while3A_392 step %while3A_393 iter_args(%while3A_575 = %broadcast_in_dim3A_385) -> (vector<1024x1xf32>)  : i32 {
        %get3A_576 = arith.constant 0 : index
        %get3A_577 = arith.index_cast %while3A_574 : i32 to index
        %get3A_578 = arith.constant 0 : index
        %get3A_579 = arith.constant 0 : index
        %get3A_580 = vector.load %arg7[%get3A_576, %get3A_577, %get3A_578, %get3A_579] : memref<5x80x1x256xf32, #tpu.memory_space<vmem>>, vector<1x1x1x256xf32>
        %get3A_581 = vector.shape_cast %get3A_580 : vector<1x1x1x256xf32> to vector<1x1x256xf32>
        %reshape3A_582 = vector.shape_cast %get3A_581 : vector<1x1x256xf32> to vector<1x256xf32>
        %get3A_583 = arith.constant 1 : index
        %get3A_584 = arith.index_cast %while3A_574 : i32 to index
        %get3A_585 = arith.constant 0 : index
        %get3A_586 = arith.constant 0 : index
        %get3A_587 = vector.load %arg7[%get3A_583, %get3A_584, %get3A_585, %get3A_586] : memref<5x80x1x256xf32, #tpu.memory_space<vmem>>, vector<1x1x1x256xf32>
        %get3A_588 = vector.shape_cast %get3A_587 : vector<1x1x1x256xf32> to vector<1x1x256xf32>
        %reshape3A_589 = vector.shape_cast %get3A_588 : vector<1x1x256xf32> to vector<1x256xf32>
        %get3A_590 = arith.constant 2 : index
        %get3A_591 = arith.index_cast %while3A_574 : i32 to index
        %get3A_592 = arith.constant 0 : index
        %get3A_593 = arith.constant 0 : index
        %get3A_594 = vector.load %arg7[%get3A_590, %get3A_591, %get3A_592, %get3A_593] : memref<5x80x1x256xf32, #tpu.memory_space<vmem>>, vector<1x1x1x256xf32>
        %get3A_595 = vector.shape_cast %get3A_594 : vector<1x1x1x256xf32> to vector<1x1x256xf32>
        %reshape3A_596 = vector.shape_cast %get3A_595 : vector<1x1x256xf32> to vector<1x256xf32>
        %get3A_597 = arith.constant 3 : index
        %get3A_598 = arith.index_cast %while3A_574 : i32 to index
        %get3A_599 = arith.constant 0 : index
        %get3A_600 = arith.constant 0 : index
        %get3A_601 = vector.load %arg7[%get3A_597, %get3A_598, %get3A_599, %get3A_600] : memref<5x80x1x256xf32, #tpu.memory_space<vmem>>, vector<1x1x1x256xf32>
        %get3A_602 = vector.shape_cast %get3A_601 : vector<1x1x1x256xf32> to vector<1x1x256xf32>
        %reshape3A_603 = vector.shape_cast %get3A_602 : vector<1x1x256xf32> to vector<1x256xf32>
        %get3A_604 = arith.constant 4 : index
        %get3A_605 = arith.index_cast %while3A_574 : i32 to index
        %get3A_606 = arith.constant 0 : index
        %get3A_607 = arith.constant 0 : index
        %get3A_608 = vector.load %arg7[%get3A_604, %get3A_605, %get3A_606, %get3A_607] : memref<5x80x1x256xf32, #tpu.memory_space<vmem>>, vector<1x1x1x256xf32>
        %get3A_609 = vector.shape_cast %get3A_608 : vector<1x1x1x256xf32> to vector<1x1x256xf32>
        %reshape3A_610 = vector.shape_cast %get3A_609 : vector<1x1x256xf32> to vector<1x256xf32>
        %max3A_611 = vector.broadcast %reshape3A_582 : vector<1x256xf32> to vector<1024x256xf32>
        %max3A_612 = vector.broadcast %broadcast_in_dim3A_313 : vector<1024x1xf32> to vector<1024x256xf32>
        %max3A_613 = arith.maximumf %max3A_611, %max3A_612 : vector<1024x256xf32>
        %max3A_614 = vector.broadcast %reshape3A_589 : vector<1x256xf32> to vector<1024x256xf32>
        %max3A_615 = vector.broadcast %broadcast_in_dim3A_323 : vector<1024x1xf32> to vector<1024x256xf32>
        %max3A_616 = arith.maximumf %max3A_614, %max3A_615 : vector<1024x256xf32>
        %min3A_617 = vector.broadcast %reshape3A_596 : vector<1x256xf32> to vector<1024x256xf32>
        %min3A_618 = vector.broadcast %broadcast_in_dim3A_333 : vector<1024x1xf32> to vector<1024x256xf32>
        %min3A_619 = arith.minimumf %min3A_617, %min3A_618 : vector<1024x256xf32>
        %min3A_620 = vector.broadcast %reshape3A_603 : vector<1x256xf32> to vector<1024x256xf32>
        %min3A_621 = vector.broadcast %broadcast_in_dim3A_343 : vector<1024x1xf32> to vector<1024x256xf32>
        %min3A_622 = arith.minimumf %min3A_620, %min3A_621 : vector<1024x256xf32>
        %sub3A_623 = arith.subf %min3A_619, %max3A_613 : vector<1024x256xf32>
        %max3A_624 = arith.constant 0.000000e+00 : f32
        %max3A_625 = vector.broadcast %max3A_624 : f32 to vector<1024x256xf32>
        %max3A_626 = arith.maximumf %sub3A_623, %max3A_625 : vector<1024x256xf32>
        %sub3A_627 = arith.subf %min3A_622, %max3A_616 : vector<1024x256xf32>
        %max3A_628 = arith.constant 0.000000e+00 : f32
        %max3A_629 = vector.broadcast %max3A_628 : f32 to vector<1024x256xf32>
        %max3A_630 = arith.maximumf %sub3A_627, %max3A_629 : vector<1024x256xf32>
        %mul3A_631 = arith.mulf %max3A_626, %max3A_630 : vector<1024x256xf32>
        %add3A_632 = vector.broadcast %reshape3A_610 : vector<1x256xf32> to vector<1024x256xf32>
        %add3A_633 = vector.broadcast %broadcast_in_dim3A_353 : vector<1024x1xf32> to vector<1024x256xf32>
        %add3A_634 = arith.addf %add3A_632, %add3A_633 : vector<1024x256xf32>
        %sub3A_635 = arith.subf %add3A_634, %mul3A_631 : vector<1024x256xf32>
        %add3A_636 = arith.constant 9.99999971E-10 : f32
        %add3A_637 = vector.broadcast %add3A_636 : f32 to vector<1024x256xf32>
        %add3A_638 = arith.addf %sub3A_635, %add3A_637 : vector<1024x256xf32>
        %div3A_639 = arith.divf %mul3A_631, %add3A_638 : vector<1024x256xf32>
        %gt3A_640 = vector.broadcast %get3A_0 : f32 to vector<1024x256xf32>
        %gt3A_641 = arith.cmpf ogt, %div3A_639, %gt3A_640 : vector<1024x256xf32>
        %convert_element_type3A_642 = arith.extui %gt3A_641 : vector<1024x256xi1> to vector<1024x256xi32>
        %convert_element_type3A_643 = arith.sitofp %convert_element_type3A_642 : vector<1024x256xi32> to vector<1024x256xf32>
        %reduce_max3A = arith.constant dense<0xFF800000> : vector<1024xf32>
        %reduce_max3A_644 = vector.multi_reduction <maximumf>, %convert_element_type3A_643, %reduce_max3A [1] : vector<1024x256xf32> to vector<1024xf32>
        %broadcast_in_dim3A_645 = vector.shape_cast %reduce_max3A_644 : vector<1024xf32> to vector<1024x1xf32>
        %max3A_646 = arith.maximumf %while3A_575, %broadcast_in_dim3A_645 : vector<1024x1xf32>
        scf.yield %max3A_646 : vector<1024x1xf32>
      }
      %while3A_395 = arith.constant 1 : i32
      %while3A_396 = scf.for %while3A_574 = %while3A_392 to %while3A_388 step %while3A_395 iter_args(%while3A_575 = %while3A_394) -> (vector<1024x1xf32>)  : i32 {
        %get3A_576 = arith.constant 0 : index
        %get3A_577 = arith.index_cast %while3A_574 : i32 to index
        %get3A_578 = arith.constant 0 : index
        %get3A_579 = arith.constant 0 : index
        %get3A_580 = vector.load %arg7[%get3A_576, %get3A_577, %get3A_578, %get3A_579] : memref<5x80x1x256xf32, #tpu.memory_space<vmem>>, vector<1x1x1x256xf32>
        %get3A_581 = vector.shape_cast %get3A_580 : vector<1x1x1x256xf32> to vector<1x1x256xf32>
        %reshape3A_582 = vector.shape_cast %get3A_581 : vector<1x1x256xf32> to vector<1x256xf32>
        %get3A_583 = arith.constant 1 : index
        %get3A_584 = arith.index_cast %while3A_574 : i32 to index
        %get3A_585 = arith.constant 0 : index
        %get3A_586 = arith.constant 0 : index
        %get3A_587 = vector.load %arg7[%get3A_583, %get3A_584, %get3A_585, %get3A_586] : memref<5x80x1x256xf32, #tpu.memory_space<vmem>>, vector<1x1x1x256xf32>
        %get3A_588 = vector.shape_cast %get3A_587 : vector<1x1x1x256xf32> to vector<1x1x256xf32>
        %reshape3A_589 = vector.shape_cast %get3A_588 : vector<1x1x256xf32> to vector<1x256xf32>
        %get3A_590 = arith.constant 2 : index
        %get3A_591 = arith.index_cast %while3A_574 : i32 to index
        %get3A_592 = arith.constant 0 : index
        %get3A_593 = arith.constant 0 : index
        %get3A_594 = vector.load %arg7[%get3A_590, %get3A_591, %get3A_592, %get3A_593] : memref<5x80x1x256xf32, #tpu.memory_space<vmem>>, vector<1x1x1x256xf32>
        %get3A_595 = vector.shape_cast %get3A_594 : vector<1x1x1x256xf32> to vector<1x1x256xf32>
        %reshape3A_596 = vector.shape_cast %get3A_595 : vector<1x1x256xf32> to vector<1x256xf32>
        %get3A_597 = arith.constant 3 : index
        %get3A_598 = arith.index_cast %while3A_574 : i32 to index
        %get3A_599 = arith.constant 0 : index
        %get3A_600 = arith.constant 0 : index
        %get3A_601 = vector.load %arg7[%get3A_597, %get3A_598, %get3A_599, %get3A_600] : memref<5x80x1x256xf32, #tpu.memory_space<vmem>>, vector<1x1x1x256xf32>
        %get3A_602 = vector.shape_cast %get3A_601 : vector<1x1x1x256xf32> to vector<1x1x256xf32>
        %reshape3A_603 = vector.shape_cast %get3A_602 : vector<1x1x256xf32> to vector<1x256xf32>
        %get3A_604 = arith.constant 4 : index
        %get3A_605 = arith.index_cast %while3A_574 : i32 to index
        %get3A_606 = arith.constant 0 : index
        %get3A_607 = arith.constant 0 : index
        %get3A_608 = vector.load %arg7[%get3A_604, %get3A_605, %get3A_606, %get3A_607] : memref<5x80x1x256xf32, #tpu.memory_space<vmem>>, vector<1x1x1x256xf32>
        %get3A_609 = vector.shape_cast %get3A_608 : vector<1x1x1x256xf32> to vector<1x1x256xf32>
        %reshape3A_610 = vector.shape_cast %get3A_609 : vector<1x1x256xf32> to vector<1x256xf32>
        %max3A_611 = vector.broadcast %reshape3A_582 : vector<1x256xf32> to vector<1024x256xf32>
        %max3A_612 = vector.broadcast %broadcast_in_dim3A_313 : vector<1024x1xf32> to vector<1024x256xf32>
        %max3A_613 = arith.maximumf %max3A_611, %max3A_612 : vector<1024x256xf32>
        %max3A_614 = vector.broadcast %reshape3A_589 : vector<1x256xf32> to vector<1024x256xf32>
        %max3A_615 = vector.broadcast %broadcast_in_dim3A_323 : vector<1024x1xf32> to vector<1024x256xf32>
        %max3A_616 = arith.maximumf %max3A_614, %max3A_615 : vector<1024x256xf32>
        %min3A_617 = vector.broadcast %reshape3A_596 : vector<1x256xf32> to vector<1024x256xf32>
        %min3A_618 = vector.broadcast %broadcast_in_dim3A_333 : vector<1024x1xf32> to vector<1024x256xf32>
        %min3A_619 = arith.minimumf %min3A_617, %min3A_618 : vector<1024x256xf32>
        %min3A_620 = vector.broadcast %reshape3A_603 : vector<1x256xf32> to vector<1024x256xf32>
        %min3A_621 = vector.broadcast %broadcast_in_dim3A_343 : vector<1024x1xf32> to vector<1024x256xf32>
        %min3A_622 = arith.minimumf %min3A_620, %min3A_621 : vector<1024x256xf32>
        %sub3A_623 = arith.subf %min3A_619, %max3A_613 : vector<1024x256xf32>
        %max3A_624 = arith.constant 0.000000e+00 : f32
        %max3A_625 = vector.broadcast %max3A_624 : f32 to vector<1024x256xf32>
        %max3A_626 = arith.maximumf %sub3A_623, %max3A_625 : vector<1024x256xf32>
        %sub3A_627 = arith.subf %min3A_622, %max3A_616 : vector<1024x256xf32>
        %max3A_628 = arith.constant 0.000000e+00 : f32
        %max3A_629 = vector.broadcast %max3A_628 : f32 to vector<1024x256xf32>
        %max3A_630 = arith.maximumf %sub3A_627, %max3A_629 : vector<1024x256xf32>
        %mul3A_631 = arith.mulf %max3A_626, %max3A_630 : vector<1024x256xf32>
        %add3A_632 = vector.broadcast %reshape3A_610 : vector<1x256xf32> to vector<1024x256xf32>
        %add3A_633 = vector.broadcast %broadcast_in_dim3A_353 : vector<1024x1xf32> to vector<1024x256xf32>
        %add3A_634 = arith.addf %add3A_632, %add3A_633 : vector<1024x256xf32>
        %sub3A_635 = arith.subf %add3A_634, %mul3A_631 : vector<1024x256xf32>
        %add3A_636 = arith.constant 9.99999971E-10 : f32
        %add3A_637 = vector.broadcast %add3A_636 : f32 to vector<1024x256xf32>
        %add3A_638 = arith.addf %sub3A_635, %add3A_637 : vector<1024x256xf32>
        %div3A_639 = arith.divf %mul3A_631, %add3A_638 : vector<1024x256xf32>
        %gt3A_640 = vector.broadcast %get3A_0 : f32 to vector<1024x256xf32>
        %gt3A_641 = arith.cmpf ogt, %div3A_639, %gt3A_640 : vector<1024x256xf32>
        %convert_element_type3A_642 = arith.extui %gt3A_641 : vector<1024x256xi1> to vector<1024x256xi32>
        %convert_element_type3A_643 = arith.sitofp %convert_element_type3A_642 : vector<1024x256xi32> to vector<1024x256xf32>
        %reduce_max3A = arith.constant dense<0xFF800000> : vector<1024xf32>
        %reduce_max3A_644 = vector.multi_reduction <maximumf>, %convert_element_type3A_643, %reduce_max3A [1] : vector<1024x256xf32> to vector<1024xf32>
        %broadcast_in_dim3A_645 = vector.shape_cast %reduce_max3A_644 : vector<1024xf32> to vector<1024x1xf32>
        %max3A_646 = arith.maximumf %while3A_575, %broadcast_in_dim3A_645 : vector<1024x1xf32>
        scf.yield %max3A_646 : vector<1024x1xf32>
      }
      %dot_general3A = arith.constant dense<0.000000e+00> : vector<1x1024xf32>
      %dot_general3A_397 = tpu.matmul %while3A_396, %convert_element_type3A_210, %dot_general3A {dimension_numbers = #tpu.dot_dimension_numbers<[0], [0], [1], [1], [0, 1, 1, 1], [], []>, transpose_lhs_hint = false} : vector<1024x1xf32>, vector<1024x1024xf32>, vector<1x1024xf32> -> vector<1x1024xf32>
      %gt3A_398 = arith.constant 5.000000e-01 : f32
      %gt3A_399 = vector.broadcast %gt3A_398 : f32 to vector<1x1024xf32>
      %gt3A_400 = arith.cmpf ogt, %dot_general3A_397, %gt3A_399 : vector<1x1024xf32>
      %convert_element_type3A_401 = arith.extui %gt3A_400 : vector<1x1024xi1> to vector<1x1024xi32>
      %convert_element_type3A_402 = arith.sitofp %convert_element_type3A_401 : vector<1x1024xi32> to vector<1x1024xf32>
      %get3A_403 = arith.constant 0 : index
      %get3A_404 = arith.index_cast %while3A_298 : i32 to index
      %get3A_405 = arith.constant 0 : index
      %get3A_406 = arith.constant 0 : index
      %get3A_407 = vector.load %arg4[%get3A_403, %get3A_404, %get3A_405, %get3A_406] : memref<5x20x1x1024xf32, #tpu.memory_space<vmem>>, vector<1x1x1x1024xf32>
      %get3A_408 = vector.shape_cast %get3A_407 : vector<1x1x1x1024xf32> to vector<1x1x1024xf32>
      %reshape3A = vector.shape_cast %get3A_408 : vector<1x1x1024xf32> to vector<1x1024xf32>
      %get3A_409 = arith.constant 1 : index
      %get3A_410 = arith.index_cast %while3A_298 : i32 to index
      %get3A_411 = arith.constant 0 : index
      %get3A_412 = arith.constant 0 : index
      %get3A_413 = vector.load %arg4[%get3A_409, %get3A_410, %get3A_411, %get3A_412] : memref<5x20x1x1024xf32, #tpu.memory_space<vmem>>, vector<1x1x1x1024xf32>
      %get3A_414 = vector.shape_cast %get3A_413 : vector<1x1x1x1024xf32> to vector<1x1x1024xf32>
      %reshape3A_415 = vector.shape_cast %get3A_414 : vector<1x1x1024xf32> to vector<1x1024xf32>
      %get3A_416 = arith.constant 2 : index
      %get3A_417 = arith.index_cast %while3A_298 : i32 to index
      %get3A_418 = arith.constant 0 : index
      %get3A_419 = arith.constant 0 : index
      %get3A_420 = vector.load %arg4[%get3A_416, %get3A_417, %get3A_418, %get3A_419] : memref<5x20x1x1024xf32, #tpu.memory_space<vmem>>, vector<1x1x1x1024xf32>
      %get3A_421 = vector.shape_cast %get3A_420 : vector<1x1x1x1024xf32> to vector<1x1x1024xf32>
      %reshape3A_422 = vector.shape_cast %get3A_421 : vector<1x1x1024xf32> to vector<1x1024xf32>
      %get3A_423 = arith.constant 3 : index
      %get3A_424 = arith.index_cast %while3A_298 : i32 to index
      %get3A_425 = arith.constant 0 : index
      %get3A_426 = arith.constant 0 : index
      %get3A_427 = vector.load %arg4[%get3A_423, %get3A_424, %get3A_425, %get3A_426] : memref<5x20x1x1024xf32, #tpu.memory_space<vmem>>, vector<1x1x1x1024xf32>
      %get3A_428 = vector.shape_cast %get3A_427 : vector<1x1x1x1024xf32> to vector<1x1x1024xf32>
      %reshape3A_429 = vector.shape_cast %get3A_428 : vector<1x1x1024xf32> to vector<1x1024xf32>
      %get3A_430 = arith.constant 4 : index
      %get3A_431 = arith.index_cast %while3A_298 : i32 to index
      %get3A_432 = arith.constant 0 : index
      %get3A_433 = arith.constant 0 : index
      %get3A_434 = vector.load %arg4[%get3A_430, %get3A_431, %get3A_432, %get3A_433] : memref<5x20x1x1024xf32, #tpu.memory_space<vmem>>, vector<1x1x1x1024xf32>
      %get3A_435 = vector.shape_cast %get3A_434 : vector<1x1x1x1024xf32> to vector<1x1x1024xf32>
      %reshape3A_436 = vector.shape_cast %get3A_435 : vector<1x1x1024xf32> to vector<1x1024xf32>
      %max3A_437 = vector.broadcast %broadcast_in_dim3A_313 : vector<1024x1xf32> to vector<1024x1024xf32>
      %max3A_438 = vector.broadcast %reshape3A : vector<1x1024xf32> to vector<1024x1024xf32>
      %max3A_439 = arith.maximumf %max3A_437, %max3A_438 : vector<1024x1024xf32>
      %max3A_440 = vector.broadcast %broadcast_in_dim3A_323 : vector<1024x1xf32> to vector<1024x1024xf32>
      %max3A_441 = vector.broadcast %reshape3A_415 : vector<1x1024xf32> to vector<1024x1024xf32>
      %max3A_442 = arith.maximumf %max3A_440, %max3A_441 : vector<1024x1024xf32>
      %min3A = vector.broadcast %broadcast_in_dim3A_333 : vector<1024x1xf32> to vector<1024x1024xf32>
      %min3A_443 = vector.broadcast %reshape3A_422 : vector<1x1024xf32> to vector<1024x1024xf32>
      %min3A_444 = arith.minimumf %min3A, %min3A_443 : vector<1024x1024xf32>
      %min3A_445 = vector.broadcast %broadcast_in_dim3A_343 : vector<1024x1xf32> to vector<1024x1024xf32>
      %min3A_446 = vector.broadcast %reshape3A_429 : vector<1x1024xf32> to vector<1024x1024xf32>
      %min3A_447 = arith.minimumf %min3A_445, %min3A_446 : vector<1024x1024xf32>
      %sub3A_448 = arith.subf %min3A_444, %max3A_439 : vector<1024x1024xf32>
      %max3A_449 = arith.constant 0.000000e+00 : f32
      %max3A_450 = vector.broadcast %max3A_449 : f32 to vector<1024x1024xf32>
      %max3A_451 = arith.maximumf %sub3A_448, %max3A_450 : vector<1024x1024xf32>
      %sub3A_452 = arith.subf %min3A_447, %max3A_442 : vector<1024x1024xf32>
      %max3A_453 = arith.constant 0.000000e+00 : f32
      %max3A_454 = vector.broadcast %max3A_453 : f32 to vector<1024x1024xf32>
      %max3A_455 = arith.maximumf %sub3A_452, %max3A_454 : vector<1024x1024xf32>
      %mul3A_456 = arith.mulf %max3A_451, %max3A_455 : vector<1024x1024xf32>
      %add3A_457 = vector.broadcast %broadcast_in_dim3A_353 : vector<1024x1xf32> to vector<1024x1024xf32>
      %add3A_458 = vector.broadcast %reshape3A_436 : vector<1x1024xf32> to vector<1024x1024xf32>
      %add3A_459 = arith.addf %add3A_457, %add3A_458 : vector<1024x1024xf32>
      %sub3A_460 = arith.subf %add3A_459, %mul3A_456 : vector<1024x1024xf32>
      %add3A_461 = arith.constant 9.99999971E-10 : f32
      %add3A_462 = vector.broadcast %add3A_461 : f32 to vector<1024x1024xf32>
      %add3A_463 = arith.addf %sub3A_460, %add3A_462 : vector<1024x1024xf32>
      %div3A_464 = arith.divf %mul3A_456, %add3A_463 : vector<1024x1024xf32>
      %gt3A_465 = vector.broadcast %get3A_0 : f32 to vector<1024x1024xf32>
      %gt3A_466 = arith.cmpf ogt, %div3A_464, %gt3A_465 : vector<1024x1024xf32>
      %convert_element_type3A_467 = arith.extui %gt3A_466 : vector<1024x1024xi1> to vector<1024x1024xi32>
      %convert_element_type3A_468 = arith.sitofp %convert_element_type3A_467 : vector<1024x1024xi32> to vector<1024x1024xf32>
      %mul3A_469 = arith.mulf %convert_element_type3A_468, %convert_element_type3A_208 : vector<1024x1024xf32>
      %get3A_470 = arith.index_cast %while3A_298 : i32 to index
      %get3A_471 = arith.constant 0 : index
      %get3A_472 = arith.constant 0 : index
      %get3A_473 = vector.load %arg6[%get3A_470, %get3A_471, %get3A_472] : memref<20x1x1024xf32, #tpu.memory_space<vmem>>, vector<1x1x1024xf32>
      %reshape3A_474 = vector.shape_cast %get3A_473 : vector<1x1x1024xf32> to vector<1x1024xf32>
      %max3A_475 = arith.maximumf %reshape3A_474, %convert_element_type3A_402 : vector<1x1024xf32>
      %broadcast_in_dim3A_476 = arith.constant 0.000000e+00 : f32
      %broadcast_in_dim3A_477 = vector.broadcast %broadcast_in_dim3A_476 : f32 to vector<1x1024xf32>
      %while3A_478 = arith.constant 0 : i32
      %while3A_479:3 = scf.while (%while3A_574 = %max3A_475, %while3A_575 = %broadcast_in_dim3A_477, %while3A_576 = %while3A_478) : (vector<1x1024xf32>, vector<1x1024xf32>, i32) -> (vector<1x1024xf32>, vector<1x1024xf32>, i32) {
        %sub3A_577 = arith.constant 1.000000e+00 : f32
        %sub3A_578 = vector.broadcast %sub3A_577 : f32 to vector<1x1024xf32>
        %sub3A_579 = arith.subf %sub3A_578, %while3A_574 : vector<1x1024xf32>
        %sub3A_580 = arith.constant 1.000000e+00 : f32
        %sub3A_581 = vector.broadcast %sub3A_580 : f32 to vector<1x1024xf32>
        %sub3A_582 = arith.subf %sub3A_581, %while3A_575 : vector<1x1024xf32>
        %mul3A_583 = arith.mulf %sub3A_579, %sub3A_582 : vector<1x1024xf32>
        %reduce_sum3A_584 = vector.shape_cast %mul3A_583 : vector<1x1024xf32> to vector<1x1x1024xf32>
        %reduce_sum3A_585 = arith.constant dense<0.000000e+00> : vector<1xf32>
        %reduce_sum3A_586 = vector.multi_reduction <add>, %reduce_sum3A_584, %reduce_sum3A_585 [1, 2] : vector<1x1x1024xf32> to vector<1xf32>
        %reduce_sum3A_587 = vector.shape_cast %reduce_sum3A_586 : vector<1xf32> to vector<1x1x1xf32>
        %reduce_sum3A_588 = vector.extract %reduce_sum3A_587[0, 0, 0] : f32 from vector<1x1x1xf32>
        %gt3A_589 = arith.constant 0.000000e+00 : f32
        %gt3A_590 = arith.cmpf ogt, %reduce_sum3A_588, %gt3A_589 : f32
        %lt3A_591 = arith.constant 1024 : i32
        %lt3A_592 = arith.cmpi slt, %while3A_576, %lt3A_591 : i32
        %and3A_593 = arith.andi %gt3A_590, %lt3A_592 : i1
        scf.condition(%and3A_593) %while3A_574, %while3A_575, %while3A_576 : vector<1x1024xf32>, vector<1x1024xf32>, i32
      } do {
      ^bb0(%while3A_574: vector<1x1024xf32>, %while3A_575: vector<1x1024xf32>, %while3A_576: i32):
        %sub3A_577 = arith.constant 1.000000e+00 : f32
        %sub3A_578 = vector.broadcast %sub3A_577 : f32 to vector<1x1024xf32>
        %sub3A_579 = arith.subf %sub3A_578, %while3A_574 : vector<1x1024xf32>
        %dot_general3A_580 = arith.constant dense<0.000000e+00> : vector<1x1024xf32>
        %dot_general3A_581 = tpu.matmul %sub3A_579, %mul3A_469, %dot_general3A_580 {dimension_numbers = #tpu.dot_dimension_numbers<[1], [0], [0], [1], [0, 0, 1, 1], [], []>, transpose_lhs_hint = false} : vector<1x1024xf32>, vector<1024x1024xf32>, vector<1x1024xf32> -> vector<1x1024xf32>
        %le3A_582 = arith.constant 0.000000e+00 : f32
        %le3A_583 = vector.broadcast %le3A_582 : f32 to vector<1x1024xf32>
        %le3A_584 = arith.cmpf ole, %dot_general3A_581, %le3A_583 : vector<1x1024xf32>
        %convert_element_type3A_585 = arith.extui %le3A_584 : vector<1x1024xi1> to vector<1x1024xi32>
        %convert_element_type3A_586 = arith.sitofp %convert_element_type3A_585 : vector<1x1024xi32> to vector<1x1024xf32>
        %mul3A_587 = arith.mulf %sub3A_579, %convert_element_type3A_586 : vector<1x1024xf32>
        %max3A_588 = arith.maximumf %while3A_575, %mul3A_587 : vector<1x1024xf32>
        %dot_general3A_589 = arith.constant dense<0.000000e+00> : vector<1x1024xf32>
        %dot_general3A_590 = tpu.matmul %max3A_588, %mul3A_469, %dot_general3A_589 {dimension_numbers = #tpu.dot_dimension_numbers<[1], [0], [0], [1], [0, 0, 1, 1], [], []>, transpose_lhs_hint = false} : vector<1x1024xf32>, vector<1024x1024xf32>, vector<1x1024xf32> -> vector<1x1024xf32>
        %gt3A_591 = arith.constant 0.000000e+00 : f32
        %gt3A_592 = vector.broadcast %gt3A_591 : f32 to vector<1x1024xf32>
        %gt3A_593 = arith.cmpf ogt, %dot_general3A_590, %gt3A_592 : vector<1x1024xf32>
        %convert_element_type3A_594 = arith.extui %gt3A_593 : vector<1x1024xi1> to vector<1x1024xi32>
        %convert_element_type3A_595 = arith.sitofp %convert_element_type3A_594 : vector<1x1024xi32> to vector<1x1024xf32>
        %sub3A_596 = arith.constant 1.000000e+00 : f32
        %sub3A_597 = vector.broadcast %sub3A_596 : f32 to vector<1x1024xf32>
        %sub3A_598 = arith.subf %sub3A_597, %max3A_588 : vector<1x1024xf32>
        %mul3A_599 = arith.mulf %convert_element_type3A_595, %sub3A_598 : vector<1x1024xf32>
        %max3A_600 = arith.maximumf %while3A_574, %mul3A_599 : vector<1x1024xf32>
        %add3A_601 = arith.constant 1 : i32
        %add3A_602 = arith.addi %while3A_576, %add3A_601 : i32
        scf.yield %max3A_600, %max3A_588, %add3A_602 : vector<1x1024xf32>, vector<1x1024xf32>, i32
      }
      %sub3A_480 = arith.constant 1.000000e+00 : f32
      %sub3A_481 = vector.broadcast %sub3A_480 : f32 to vector<1x1024xf32>
      %sub3A_482 = arith.subf %sub3A_481, %while3A_479#1 : vector<1x1024xf32>
      %reshape3A_483 = vector.shape_cast %sub3A_482 : vector<1x1024xf32> to vector<1x1x1024xf32>
      %swap3A_484 = arith.index_cast %while3A_298 : i32 to index
      %swap3A_485 = arith.constant 0 : index
      %swap3A_486 = arith.constant 0 : index
      %swap3A_487 = vector.load %arg6[%swap3A_484, %swap3A_485, %swap3A_486] : memref<20x1x1024xf32, #tpu.memory_space<vmem>>, vector<1x1x1024xf32>
      tpu.vector_store %arg6[%swap3A_484, %swap3A_485, %swap3A_486], %reshape3A_483 {strides = array<i32>} : memref<20x1x1024xf32, #tpu.memory_space<vmem>>, vector<1x1x1024xf32>,
      %reduce_sum3A_488 = vector.shape_cast %while3A_479#1 : vector<1x1024xf32> to vector<1x1x1024xf32>
      %reduce_sum3A_489 = arith.constant dense<0.000000e+00> : vector<1xf32>
      %reduce_sum3A_490 = vector.multi_reduction <add>, %reduce_sum3A_488, %reduce_sum3A_489 [1, 2] : vector<1x1x1024xf32> to vector<1xf32>
      %reduce_sum3A_491 = vector.shape_cast %reduce_sum3A_490 : vector<1xf32> to vector<1x1x1xf32>
      %reduce_sum3A_492 = vector.extract %reduce_sum3A_491[0, 0, 0] : f32 from vector<1x1x1xf32>
      %convert_element_type3A_493 = arith.fptosi %reduce_sum3A_492 : f32 to i32
      %dot_general3A_494 = arith.constant dense<0.000000e+00> : vector<1024x1xf32>
      %dot_general3A_495 = tpu.matmul %convert_element_type3A_210, %while3A_479#1, %dot_general3A_494 {dimension_numbers = #tpu.dot_dimension_numbers<[1], [1], [0], [0], [0, 0, 1, 0], [], []>, transpose_lhs_hint = false} : vector<1024x1024xf32>, vector<1x1024xf32>, vector<1024x1xf32> -> vector<1024x1xf32>
      %gt3A_496 = arith.constant 5.000000e-01 : f32
      %gt3A_497 = vector.broadcast %gt3A_496 : f32 to vector<1024x1xf32>
      %gt3A_498 = arith.cmpf ogt, %dot_general3A_495, %gt3A_497 : vector<1024x1xf32>
      %convert_element_type3A_499 = arith.extui %gt3A_498 : vector<1024x1xi1> to vector<1024x1xi32>
      %convert_element_type3A_500 = arith.sitofp %convert_element_type3A_499 : vector<1024x1xi32> to vector<1024x1xf32>
      %dot_general3A_501 = arith.constant dense<0.000000e+00> : vector<1024x1xf32>
      %dot_general3A_502 = tpu.matmul %convert_element_type3A_212, %convert_element_type3A_500, %dot_general3A_501 {dimension_numbers = #tpu.dot_dimension_numbers<[1], [0], [0], [1], [0, 0, 1, 1], [], []>, transpose_lhs_hint = false} : vector<1024x1024xf32>, vector<1024x1xf32>, vector<1024x1xf32> -> vector<1024x1xf32>
      %convert_element_type3A_503 = arith.sitofp %get3A_355 : i32 to f32
      %add3A_504 = vector.broadcast %convert_element_type3A_503 : f32 to vector<1024x1xf32>
      %add3A_505 = arith.addf %dot_general3A_502, %add3A_504 : vector<1024x1xf32>
      %jit3A_506 = arith.constant 256 : i32
      %div3A_507 = arith.divsi %get3A_355, %jit3A_506 : i32
      %sign3A_508 = arith.constant 0 : i32
      %sign3A_509 = arith.cmpi sgt, %get3A_355, %sign3A_508 : i32
      %sign3A_510 = arith.extui %sign3A_509 : i1 to i32
      %sign3A_511 = arith.constant 0 : i32
      %sign3A_512 = arith.cmpi slt, %get3A_355, %sign3A_511 : i32
      %sign3A_513 = arith.extui %sign3A_512 : i1 to i32
      %sign3A_514 = arith.subi %sign3A_510, %sign3A_513 : i32
      %sign3A_515 = arith.constant 0 : i32
      %sign3A_516 = arith.cmpi sgt, %jit3A_506, %sign3A_515 : i32
      %sign3A_517 = arith.extui %sign3A_516 : i1 to i32
      %sign3A_518 = arith.constant 0 : i32
      %sign3A_519 = arith.cmpi slt, %jit3A_506, %sign3A_518 : i32
      %sign3A_520 = arith.extui %sign3A_519 : i1 to i32
      %sign3A_521 = arith.subi %sign3A_517, %sign3A_520 : i32
      %ne3A_522 = arith.cmpi ne, %sign3A_514, %sign3A_521 : i32
      %rem3A_523 = arith.remsi %get3A_355, %jit3A_506 : i32
      %ne3A_524 = arith.constant 0 : i32
      %ne3A_525 = arith.cmpi ne, %rem3A_523, %ne3A_524 : i32
      %and3A_526 = arith.andi %ne3A_522, %ne3A_525 : i1
      %sub3A_527 = arith.constant 1 : i32
      %sub3A_528 = arith.subi %div3A_507, %sub3A_527 : i32
      %select_n3A_529 = arith.select %and3A_526, %sub3A_528, %div3A_507 : i32
      %add3A_530 = arith.addi %get3A_355, %convert_element_type3A_493 : i32
      %add3A_531 = arith.constant 256 : i32
      %add3A_532 = arith.addi %add3A_530, %add3A_531 : i32
      %sub3A_533 = arith.constant 1 : i32
      %sub3A_534 = arith.subi %add3A_532, %sub3A_533 : i32
      %jit3A_535 = arith.constant 256 : i32
      %div3A_536 = arith.divsi %sub3A_534, %jit3A_535 : i32
      %sign3A_537 = arith.constant 0 : i32
      %sign3A_538 = arith.cmpi sgt, %sub3A_534, %sign3A_537 : i32
      %sign3A_539 = arith.extui %sign3A_538 : i1 to i32
      %sign3A_540 = arith.constant 0 : i32
      %sign3A_541 = arith.cmpi slt, %sub3A_534, %sign3A_540 : i32
      %sign3A_542 = arith.extui %sign3A_541 : i1 to i32
      %sign3A_543 = arith.subi %sign3A_539, %sign3A_542 : i32
      %sign3A_544 = arith.constant 0 : i32
      %sign3A_545 = arith.cmpi sgt, %jit3A_535, %sign3A_544 : i32
      %sign3A_546 = arith.extui %sign3A_545 : i1 to i32
      %sign3A_547 = arith.constant 0 : i32
      %sign3A_548 = arith.cmpi slt, %jit3A_535, %sign3A_547 : i32
      %sign3A_549 = arith.extui %sign3A_548 : i1 to i32
      %sign3A_550 = arith.subi %sign3A_546, %sign3A_549 : i32
      %ne3A_551 = arith.cmpi ne, %sign3A_543, %sign3A_550 : i32
      %rem3A_552 = arith.remsi %sub3A_534, %jit3A_535 : i32
      %ne3A_553 = arith.constant 0 : i32
      %ne3A_554 = arith.cmpi ne, %rem3A_552, %ne3A_553 : i32
      %and3A_555 = arith.andi %ne3A_551, %ne3A_554 : i1
      %sub3A_556 = arith.constant 1 : i32
      %sub3A_557 = arith.subi %div3A_536, %sub3A_556 : i32
      %select_n3A_558 = arith.select %and3A_555, %sub3A_557, %div3A_536 : i32
      %while3A_559 = arith.constant 0 : i32
      %while3A_560 = arith.subi %select_n3A_558, %select_n3A_529 : i32
      %while3A_561 = arith.addi %select_n3A_529, %while3A_560 : i32
      %while3A_562 = arith.constant 1 : i32
      %while3A_563 = arith.divsi %while3A_560, %while3A_562 : i32
      %while3A_564 = arith.muli %while3A_563, %while3A_562 : i32
      %while3A_565 = arith.addi %select_n3A_529, %while3A_564 : i32
      %while3A_566 = arith.constant 1 : i32
      %while3A_567 = scf.for %while3A_574 = %select_n3A_529 to %while3A_565 step %while3A_566 iter_args(%while3A_575 = %while3A_559) -> (i32)  : i32 {
        %mul3A_576 = arith.constant 256 : i32
        %mul3A_577 = arith.muli %while3A_574, %mul3A_576 : i32
        %convert_element_type3A_578 = arith.sitofp %mul3A_577 : i32 to f32
        %add3A_579 = vector.broadcast %convert_element_type3A_578 : f32 to vector<1024x256xf32>
        %add3A_580 = arith.addf %convert_element_type3A_214, %add3A_579 : vector<1024x256xf32>
        %sub3A_581 = vector.broadcast %add3A_505 : vector<1024x1xf32> to vector<1024x256xf32>
        %sub3A_582 = arith.subf %sub3A_581, %add3A_580 : vector<1024x256xf32>
        %abs3A = math.absf %sub3A_582 : vector<1024x256xf32>
        %lt3A_583 = arith.constant 5.000000e-01 : f32
        %lt3A_584 = vector.broadcast %lt3A_583 : f32 to vector<1024x256xf32>
        %lt3A_585 = arith.cmpf olt, %abs3A, %lt3A_584 : vector<1024x256xf32>
        %convert_element_type3A_586 = arith.extui %lt3A_585 : vector<1024x256xi1> to vector<1024x256xi32>
        %convert_element_type3A_587 = arith.sitofp %convert_element_type3A_586 : vector<1024x256xi32> to vector<1024x256xf32>
        %mul3A_588 = vector.broadcast %convert_element_type3A_500 : vector<1024x1xf32> to vector<1024x256xf32>
        %mul3A_589 = arith.mulf %convert_element_type3A_587, %mul3A_588 : vector<1024x256xf32>
        %get3A_590 = arith.constant 0 : index
        %get3A_591 = arith.index_cast %while3A_574 : i32 to index
        %get3A_592 = arith.constant 0 : index
        %get3A_593 = arith.constant 0 : index
        %get3A_594 = vector.load %arg7[%get3A_590, %get3A_591, %get3A_592, %get3A_593] : memref<5x80x1x256xf32, #tpu.memory_space<vmem>>, vector<1x1x1x256xf32>
        %get3A_595 = vector.shape_cast %get3A_594 : vector<1x1x1x256xf32> to vector<1x1x256xf32>
        %mul3A_596 = vector.broadcast %broadcast_in_dim3A_313 : vector<1024x1xf32> to vector<1024x256xf32>
        %mul3A_597 = arith.mulf %mul3A_589, %mul3A_596 : vector<1024x256xf32>
        %reduce_sum3A_598 = arith.constant dense<0.000000e+00> : vector<256xf32>
        %reduce_sum3A_599 = vector.multi_reduction <add>, %mul3A_597, %reduce_sum3A_598 [0] : vector<1024x256xf32> to vector<256xf32>
        %broadcast_in_dim3A_600 = vector.shape_cast %reduce_sum3A_599 : vector<256xf32> to vector<1x256xf32>
        %reshape3A_601 = vector.shape_cast %broadcast_in_dim3A_600 : vector<1x256xf32> to vector<1x1x256xf32>
        %add3A_602 = arith.addf %get3A_595, %reshape3A_601 : vector<1x1x256xf32>
        %swap3A_603 = arith.constant 0 : index
        %swap3A_604 = arith.index_cast %while3A_574 : i32 to index
        %swap3A_605 = arith.constant 0 : index
        %swap3A_606 = arith.constant 0 : index
        %swap3A_607 = vector.load %arg7[%swap3A_603, %swap3A_604, %swap3A_605, %swap3A_606] : memref<5x80x1x256xf32, #tpu.memory_space<vmem>>, vector<1x1x1x256xf32>
        %swap3A_608 = vector.shape_cast %swap3A_607 : vector<1x1x1x256xf32> to vector<1x1x256xf32>
        %swap3A_609 = vector.shape_cast %add3A_602 : vector<1x1x256xf32> to vector<1x1x1x256xf32>
        tpu.vector_store %arg7[%swap3A_603, %swap3A_604, %swap3A_605, %swap3A_606], %swap3A_609 {strides = array<i32>} : memref<5x80x1x256xf32, #tpu.memory_space<vmem>>, vector<1x1x1x256xf32>,
        %get3A_610 = arith.constant 1 : index
        %get3A_611 = arith.index_cast %while3A_574 : i32 to index
        %get3A_612 = arith.constant 0 : index
        %get3A_613 = arith.constant 0 : index
        %get3A_614 = vector.load %arg7[%get3A_610, %get3A_611, %get3A_612, %get3A_613] : memref<5x80x1x256xf32, #tpu.memory_space<vmem>>, vector<1x1x1x256xf32>
        %get3A_615 = vector.shape_cast %get3A_614 : vector<1x1x1x256xf32> to vector<1x1x256xf32>
        %mul3A_616 = vector.broadcast %broadcast_in_dim3A_323 : vector<1024x1xf32> to vector<1024x256xf32>
        %mul3A_617 = arith.mulf %mul3A_589, %mul3A_616 : vector<1024x256xf32>
        %reduce_sum3A_618 = arith.constant dense<0.000000e+00> : vector<256xf32>
        %reduce_sum3A_619 = vector.multi_reduction <add>, %mul3A_617, %reduce_sum3A_618 [0] : vector<1024x256xf32> to vector<256xf32>
        %broadcast_in_dim3A_620 = vector.shape_cast %reduce_sum3A_619 : vector<256xf32> to vector<1x256xf32>
        %reshape3A_621 = vector.shape_cast %broadcast_in_dim3A_620 : vector<1x256xf32> to vector<1x1x256xf32>
        %add3A_622 = arith.addf %get3A_615, %reshape3A_621 : vector<1x1x256xf32>
        %swap3A_623 = arith.constant 1 : index
        %swap3A_624 = arith.index_cast %while3A_574 : i32 to index
        %swap3A_625 = arith.constant 0 : index
        %swap3A_626 = arith.constant 0 : index
        %swap3A_627 = vector.load %arg7[%swap3A_623, %swap3A_624, %swap3A_625, %swap3A_626] : memref<5x80x1x256xf32, #tpu.memory_space<vmem>>, vector<1x1x1x256xf32>
        %swap3A_628 = vector.shape_cast %swap3A_627 : vector<1x1x1x256xf32> to vector<1x1x256xf32>
        %swap3A_629 = vector.shape_cast %add3A_622 : vector<1x1x256xf32> to vector<1x1x1x256xf32>
        tpu.vector_store %arg7[%swap3A_623, %swap3A_624, %swap3A_625, %swap3A_626], %swap3A_629 {strides = array<i32>} : memref<5x80x1x256xf32, #tpu.memory_space<vmem>>, vector<1x1x1x256xf32>,
        %get3A_630 = arith.constant 2 : index
        %get3A_631 = arith.index_cast %while3A_574 : i32 to index
        %get3A_632 = arith.constant 0 : index
        %get3A_633 = arith.constant 0 : index
        %get3A_634 = vector.load %arg7[%get3A_630, %get3A_631, %get3A_632, %get3A_633] : memref<5x80x1x256xf32, #tpu.memory_space<vmem>>, vector<1x1x1x256xf32>
        %get3A_635 = vector.shape_cast %get3A_634 : vector<1x1x1x256xf32> to vector<1x1x256xf32>
        %mul3A_636 = vector.broadcast %broadcast_in_dim3A_333 : vector<1024x1xf32> to vector<1024x256xf32>
        %mul3A_637 = arith.mulf %mul3A_589, %mul3A_636 : vector<1024x256xf32>
        %reduce_sum3A_638 = arith.constant dense<0.000000e+00> : vector<256xf32>
        %reduce_sum3A_639 = vector.multi_reduction <add>, %mul3A_637, %reduce_sum3A_638 [0] : vector<1024x256xf32> to vector<256xf32>
        %broadcast_in_dim3A_640 = vector.shape_cast %reduce_sum3A_639 : vector<256xf32> to vector<1x256xf32>
        %reshape3A_641 = vector.shape_cast %broadcast_in_dim3A_640 : vector<1x256xf32> to vector<1x1x256xf32>
        %add3A_642 = arith.addf %get3A_635, %reshape3A_641 : vector<1x1x256xf32>
        %swap3A_643 = arith.constant 2 : index
        %swap3A_644 = arith.index_cast %while3A_574 : i32 to index
        %swap3A_645 = arith.constant 0 : index
        %swap3A_646 = arith.constant 0 : index
        %swap3A_647 = vector.load %arg7[%swap3A_643, %swap3A_644, %swap3A_645, %swap3A_646] : memref<5x80x1x256xf32, #tpu.memory_space<vmem>>, vector<1x1x1x256xf32>
        %swap3A_648 = vector.shape_cast %swap3A_647 : vector<1x1x1x256xf32> to vector<1x1x256xf32>
        %swap3A_649 = vector.shape_cast %add3A_642 : vector<1x1x256xf32> to vector<1x1x1x256xf32>
        tpu.vector_store %arg7[%swap3A_643, %swap3A_644, %swap3A_645, %swap3A_646], %swap3A_649 {strides = array<i32>} : memref<5x80x1x256xf32, #tpu.memory_space<vmem>>, vector<1x1x1x256xf32>,
        %get3A_650 = arith.constant 3 : index
        %get3A_651 = arith.index_cast %while3A_574 : i32 to index
        %get3A_652 = arith.constant 0 : index
        %get3A_653 = arith.constant 0 : index
        %get3A_654 = vector.load %arg7[%get3A_650, %get3A_651, %get3A_652, %get3A_653] : memref<5x80x1x256xf32, #tpu.memory_space<vmem>>, vector<1x1x1x256xf32>
        %get3A_655 = vector.shape_cast %get3A_654 : vector<1x1x1x256xf32> to vector<1x1x256xf32>
        %mul3A_656 = vector.broadcast %broadcast_in_dim3A_343 : vector<1024x1xf32> to vector<1024x256xf32>
        %mul3A_657 = arith.mulf %mul3A_589, %mul3A_656 : vector<1024x256xf32>
        %reduce_sum3A_658 = arith.constant dense<0.000000e+00> : vector<256xf32>
        %reduce_sum3A_659 = vector.multi_reduction <add>, %mul3A_657, %reduce_sum3A_658 [0] : vector<1024x256xf32> to vector<256xf32>
        %broadcast_in_dim3A_660 = vector.shape_cast %reduce_sum3A_659 : vector<256xf32> to vector<1x256xf32>
        %reshape3A_661 = vector.shape_cast %broadcast_in_dim3A_660 : vector<1x256xf32> to vector<1x1x256xf32>
        %add3A_662 = arith.addf %get3A_655, %reshape3A_661 : vector<1x1x256xf32>
        %swap3A_663 = arith.constant 3 : index
        %swap3A_664 = arith.index_cast %while3A_574 : i32 to index
        %swap3A_665 = arith.constant 0 : index
        %swap3A_666 = arith.constant 0 : index
        %swap3A_667 = vector.load %arg7[%swap3A_663, %swap3A_664, %swap3A_665, %swap3A_666] : memref<5x80x1x256xf32, #tpu.memory_space<vmem>>, vector<1x1x1x256xf32>
        %swap3A_668 = vector.shape_cast %swap3A_667 : vector<1x1x1x256xf32> to vector<1x1x256xf32>
        %swap3A_669 = vector.shape_cast %add3A_662 : vector<1x1x256xf32> to vector<1x1x1x256xf32>
        tpu.vector_store %arg7[%swap3A_663, %swap3A_664, %swap3A_665, %swap3A_666], %swap3A_669 {strides = array<i32>} : memref<5x80x1x256xf32, #tpu.memory_space<vmem>>, vector<1x1x1x256xf32>,
        %get3A_670 = arith.constant 4 : index
        %get3A_671 = arith.index_cast %while3A_574 : i32 to index
        %get3A_672 = arith.constant 0 : index
        %get3A_673 = arith.constant 0 : index
        %get3A_674 = vector.load %arg7[%get3A_670, %get3A_671, %get3A_672, %get3A_673] : memref<5x80x1x256xf32, #tpu.memory_space<vmem>>, vector<1x1x1x256xf32>
        %get3A_675 = vector.shape_cast %get3A_674 : vector<1x1x1x256xf32> to vector<1x1x256xf32>
        %mul3A_676 = vector.broadcast %broadcast_in_dim3A_353 : vector<1024x1xf32> to vector<1024x256xf32>
        %mul3A_677 = arith.mulf %mul3A_589, %mul3A_676 : vector<1024x256xf32>
        %reduce_sum3A_678 = arith.constant dense<0.000000e+00> : vector<256xf32>
        %reduce_sum3A_679 = vector.multi_reduction <add>, %mul3A_677, %reduce_sum3A_678 [0] : vector<1024x256xf32> to vector<256xf32>
        %broadcast_in_dim3A_680 = vector.shape_cast %reduce_sum3A_679 : vector<256xf32> to vector<1x256xf32>
        %reshape3A_681 = vector.shape_cast %broadcast_in_dim3A_680 : vector<1x256xf32> to vector<1x1x256xf32>
        %add3A_682 = arith.addf %get3A_675, %reshape3A_681 : vector<1x1x256xf32>
        %swap3A_683 = arith.constant 4 : index
        %swap3A_684 = arith.index_cast %while3A_574 : i32 to index
        %swap3A_685 = arith.constant 0 : index
        %swap3A_686 = arith.constant 0 : index
        %swap3A_687 = vector.load %arg7[%swap3A_683, %swap3A_684, %swap3A_685, %swap3A_686] : memref<5x80x1x256xf32, #tpu.memory_space<vmem>>, vector<1x1x1x256xf32>
        %swap3A_688 = vector.shape_cast %swap3A_687 : vector<1x1x1x256xf32> to vector<1x1x256xf32>
        %swap3A_689 = vector.shape_cast %add3A_682 : vector<1x1x256xf32> to vector<1x1x1x256xf32>
        tpu.vector_store %arg7[%swap3A_683, %swap3A_684, %swap3A_685, %swap3A_686], %swap3A_689 {strides = array<i32>} : memref<5x80x1x256xf32, #tpu.memory_space<vmem>>, vector<1x1x1x256xf32>,
        %while3A_690 = arith.constant 0 : i32
        scf.yield %while3A_690 : i32
      }
      %while3A_568 = arith.constant 1 : i32
      %while3A_569 = scf.for %while3A_574 = %while3A_565 to %while3A_561 step %while3A_568 iter_args(%while3A_575 = %while3A_567) -> (i32)  : i32 {
        %mul3A_576 = arith.constant 256 : i32
        %mul3A_577 = arith.muli %while3A_574, %mul3A_576 : i32
        %convert_element_type3A_578 = arith.sitofp %mul3A_577 : i32 to f32
        %add3A_579 = vector.broadcast %convert_element_type3A_578 : f32 to vector<1024x256xf32>
        %add3A_580 = arith.addf %convert_element_type3A_214, %add3A_579 : vector<1024x256xf32>
        %sub3A_581 = vector.broadcast %add3A_505 : vector<1024x1xf32> to vector<1024x256xf32>
        %sub3A_582 = arith.subf %sub3A_581, %add3A_580 : vector<1024x256xf32>
        %abs3A = math.absf %sub3A_582 : vector<1024x256xf32>
        %lt3A_583 = arith.constant 5.000000e-01 : f32
        %lt3A_584 = vector.broadcast %lt3A_583 : f32 to vector<1024x256xf32>
        %lt3A_585 = arith.cmpf olt, %abs3A, %lt3A_584 : vector<1024x256xf32>
        %convert_element_type3A_586 = arith.extui %lt3A_585 : vector<1024x256xi1> to vector<1024x256xi32>
        %convert_element_type3A_587 = arith.sitofp %convert_element_type3A_586 : vector<1024x256xi32> to vector<1024x256xf32>
        %mul3A_588 = vector.broadcast %convert_element_type3A_500 : vector<1024x1xf32> to vector<1024x256xf32>
        %mul3A_589 = arith.mulf %convert_element_type3A_587, %mul3A_588 : vector<1024x256xf32>
        %get3A_590 = arith.constant 0 : index
        %get3A_591 = arith.index_cast %while3A_574 : i32 to index
        %get3A_592 = arith.constant 0 : index
        %get3A_593 = arith.constant 0 : index
        %get3A_594 = vector.load %arg7[%get3A_590, %get3A_591, %get3A_592, %get3A_593] : memref<5x80x1x256xf32, #tpu.memory_space<vmem>>, vector<1x1x1x256xf32>
        %get3A_595 = vector.shape_cast %get3A_594 : vector<1x1x1x256xf32> to vector<1x1x256xf32>
        %mul3A_596 = vector.broadcast %broadcast_in_dim3A_313 : vector<1024x1xf32> to vector<1024x256xf32>
        %mul3A_597 = arith.mulf %mul3A_589, %mul3A_596 : vector<1024x256xf32>
        %reduce_sum3A_598 = arith.constant dense<0.000000e+00> : vector<256xf32>
        %reduce_sum3A_599 = vector.multi_reduction <add>, %mul3A_597, %reduce_sum3A_598 [0] : vector<1024x256xf32> to vector<256xf32>
        %broadcast_in_dim3A_600 = vector.shape_cast %reduce_sum3A_599 : vector<256xf32> to vector<1x256xf32>
        %reshape3A_601 = vector.shape_cast %broadcast_in_dim3A_600 : vector<1x256xf32> to vector<1x1x256xf32>
        %add3A_602 = arith.addf %get3A_595, %reshape3A_601 : vector<1x1x256xf32>
        %swap3A_603 = arith.constant 0 : index
        %swap3A_604 = arith.index_cast %while3A_574 : i32 to index
        %swap3A_605 = arith.constant 0 : index
        %swap3A_606 = arith.constant 0 : index
        %swap3A_607 = vector.load %arg7[%swap3A_603, %swap3A_604, %swap3A_605, %swap3A_606] : memref<5x80x1x256xf32, #tpu.memory_space<vmem>>, vector<1x1x1x256xf32>
        %swap3A_608 = vector.shape_cast %swap3A_607 : vector<1x1x1x256xf32> to vector<1x1x256xf32>
        %swap3A_609 = vector.shape_cast %add3A_602 : vector<1x1x256xf32> to vector<1x1x1x256xf32>
        tpu.vector_store %arg7[%swap3A_603, %swap3A_604, %swap3A_605, %swap3A_606], %swap3A_609 {strides = array<i32>} : memref<5x80x1x256xf32, #tpu.memory_space<vmem>>, vector<1x1x1x256xf32>,
        %get3A_610 = arith.constant 1 : index
        %get3A_611 = arith.index_cast %while3A_574 : i32 to index
        %get3A_612 = arith.constant 0 : index
        %get3A_613 = arith.constant 0 : index
        %get3A_614 = vector.load %arg7[%get3A_610, %get3A_611, %get3A_612, %get3A_613] : memref<5x80x1x256xf32, #tpu.memory_space<vmem>>, vector<1x1x1x256xf32>
        %get3A_615 = vector.shape_cast %get3A_614 : vector<1x1x1x256xf32> to vector<1x1x256xf32>
        %mul3A_616 = vector.broadcast %broadcast_in_dim3A_323 : vector<1024x1xf32> to vector<1024x256xf32>
        %mul3A_617 = arith.mulf %mul3A_589, %mul3A_616 : vector<1024x256xf32>
        %reduce_sum3A_618 = arith.constant dense<0.000000e+00> : vector<256xf32>
        %reduce_sum3A_619 = vector.multi_reduction <add>, %mul3A_617, %reduce_sum3A_618 [0] : vector<1024x256xf32> to vector<256xf32>
        %broadcast_in_dim3A_620 = vector.shape_cast %reduce_sum3A_619 : vector<256xf32> to vector<1x256xf32>
        %reshape3A_621 = vector.shape_cast %broadcast_in_dim3A_620 : vector<1x256xf32> to vector<1x1x256xf32>
        %add3A_622 = arith.addf %get3A_615, %reshape3A_621 : vector<1x1x256xf32>
        %swap3A_623 = arith.constant 1 : index
        %swap3A_624 = arith.index_cast %while3A_574 : i32 to index
        %swap3A_625 = arith.constant 0 : index
        %swap3A_626 = arith.constant 0 : index
        %swap3A_627 = vector.load %arg7[%swap3A_623, %swap3A_624, %swap3A_625, %swap3A_626] : memref<5x80x1x256xf32, #tpu.memory_space<vmem>>, vector<1x1x1x256xf32>
        %swap3A_628 = vector.shape_cast %swap3A_627 : vector<1x1x1x256xf32> to vector<1x1x256xf32>
        %swap3A_629 = vector.shape_cast %add3A_622 : vector<1x1x256xf32> to vector<1x1x1x256xf32>
        tpu.vector_store %arg7[%swap3A_623, %swap3A_624, %swap3A_625, %swap3A_626], %swap3A_629 {strides = array<i32>} : memref<5x80x1x256xf32, #tpu.memory_space<vmem>>, vector<1x1x1x256xf32>,
        %get3A_630 = arith.constant 2 : index
        %get3A_631 = arith.index_cast %while3A_574 : i32 to index
        %get3A_632 = arith.constant 0 : index
        %get3A_633 = arith.constant 0 : index
        %get3A_634 = vector.load %arg7[%get3A_630, %get3A_631, %get3A_632, %get3A_633] : memref<5x80x1x256xf32, #tpu.memory_space<vmem>>, vector<1x1x1x256xf32>
        %get3A_635 = vector.shape_cast %get3A_634 : vector<1x1x1x256xf32> to vector<1x1x256xf32>
        %mul3A_636 = vector.broadcast %broadcast_in_dim3A_333 : vector<1024x1xf32> to vector<1024x256xf32>
        %mul3A_637 = arith.mulf %mul3A_589, %mul3A_636 : vector<1024x256xf32>
        %reduce_sum3A_638 = arith.constant dense<0.000000e+00> : vector<256xf32>
        %reduce_sum3A_639 = vector.multi_reduction <add>, %mul3A_637, %reduce_sum3A_638 [0] : vector<1024x256xf32> to vector<256xf32>
        %broadcast_in_dim3A_640 = vector.shape_cast %reduce_sum3A_639 : vector<256xf32> to vector<1x256xf32>
        %reshape3A_641 = vector.shape_cast %broadcast_in_dim3A_640 : vector<1x256xf32> to vector<1x1x256xf32>
        %add3A_642 = arith.addf %get3A_635, %reshape3A_641 : vector<1x1x256xf32>
        %swap3A_643 = arith.constant 2 : index
        %swap3A_644 = arith.index_cast %while3A_574 : i32 to index
        %swap3A_645 = arith.constant 0 : index
        %swap3A_646 = arith.constant 0 : index
        %swap3A_647 = vector.load %arg7[%swap3A_643, %swap3A_644, %swap3A_645, %swap3A_646] : memref<5x80x1x256xf32, #tpu.memory_space<vmem>>, vector<1x1x1x256xf32>
        %swap3A_648 = vector.shape_cast %swap3A_647 : vector<1x1x1x256xf32> to vector<1x1x256xf32>
        %swap3A_649 = vector.shape_cast %add3A_642 : vector<1x1x256xf32> to vector<1x1x1x256xf32>
        tpu.vector_store %arg7[%swap3A_643, %swap3A_644, %swap3A_645, %swap3A_646], %swap3A_649 {strides = array<i32>} : memref<5x80x1x256xf32, #tpu.memory_space<vmem>>, vector<1x1x1x256xf32>,
        %get3A_650 = arith.constant 3 : index
        %get3A_651 = arith.index_cast %while3A_574 : i32 to index
        %get3A_652 = arith.constant 0 : index
        %get3A_653 = arith.constant 0 : index
        %get3A_654 = vector.load %arg7[%get3A_650, %get3A_651, %get3A_652, %get3A_653] : memref<5x80x1x256xf32, #tpu.memory_space<vmem>>, vector<1x1x1x256xf32>
        %get3A_655 = vector.shape_cast %get3A_654 : vector<1x1x1x256xf32> to vector<1x1x256xf32>
        %mul3A_656 = vector.broadcast %broadcast_in_dim3A_343 : vector<1024x1xf32> to vector<1024x256xf32>
        %mul3A_657 = arith.mulf %mul3A_589, %mul3A_656 : vector<1024x256xf32>
        %reduce_sum3A_658 = arith.constant dense<0.000000e+00> : vector<256xf32>
        %reduce_sum3A_659 = vector.multi_reduction <add>, %mul3A_657, %reduce_sum3A_658 [0] : vector<1024x256xf32> to vector<256xf32>
        %broadcast_in_dim3A_660 = vector.shape_cast %reduce_sum3A_659 : vector<256xf32> to vector<1x256xf32>
        %reshape3A_661 = vector.shape_cast %broadcast_in_dim3A_660 : vector<1x256xf32> to vector<1x1x256xf32>
        %add3A_662 = arith.addf %get3A_655, %reshape3A_661 : vector<1x1x256xf32>
        %swap3A_663 = arith.constant 3 : index
        %swap3A_664 = arith.index_cast %while3A_574 : i32 to index
        %swap3A_665 = arith.constant 0 : index
        %swap3A_666 = arith.constant 0 : index
        %swap3A_667 = vector.load %arg7[%swap3A_663, %swap3A_664, %swap3A_665, %swap3A_666] : memref<5x80x1x256xf32, #tpu.memory_space<vmem>>, vector<1x1x1x256xf32>
        %swap3A_668 = vector.shape_cast %swap3A_667 : vector<1x1x1x256xf32> to vector<1x1x256xf32>
        %swap3A_669 = vector.shape_cast %add3A_662 : vector<1x1x256xf32> to vector<1x1x1x256xf32>
        tpu.vector_store %arg7[%swap3A_663, %swap3A_664, %swap3A_665, %swap3A_666], %swap3A_669 {strides = array<i32>} : memref<5x80x1x256xf32, #tpu.memory_space<vmem>>, vector<1x1x1x256xf32>,
        %get3A_670 = arith.constant 4 : index
        %get3A_671 = arith.index_cast %while3A_574 : i32 to index
        %get3A_672 = arith.constant 0 : index
        %get3A_673 = arith.constant 0 : index
        %get3A_674 = vector.load %arg7[%get3A_670, %get3A_671, %get3A_672, %get3A_673] : memref<5x80x1x256xf32, #tpu.memory_space<vmem>>, vector<1x1x1x256xf32>
        %get3A_675 = vector.shape_cast %get3A_674 : vector<1x1x1x256xf32> to vector<1x1x256xf32>
        %mul3A_676 = vector.broadcast %broadcast_in_dim3A_353 : vector<1024x1xf32> to vector<1024x256xf32>
        %mul3A_677 = arith.mulf %mul3A_589, %mul3A_676 : vector<1024x256xf32>
        %reduce_sum3A_678 = arith.constant dense<0.000000e+00> : vector<256xf32>
        %reduce_sum3A_679 = vector.multi_reduction <add>, %mul3A_677, %reduce_sum3A_678 [0] : vector<1024x256xf32> to vector<256xf32>
        %broadcast_in_dim3A_680 = vector.shape_cast %reduce_sum3A_679 : vector<256xf32> to vector<1x256xf32>
        %reshape3A_681 = vector.shape_cast %broadcast_in_dim3A_680 : vector<1x256xf32> to vector<1x1x256xf32>
        %add3A_682 = arith.addf %get3A_675, %reshape3A_681 : vector<1x1x256xf32>
        %swap3A_683 = arith.constant 4 : index
        %swap3A_684 = arith.index_cast %while3A_574 : i32 to index
        %swap3A_685 = arith.constant 0 : index
        %swap3A_686 = arith.constant 0 : index
        %swap3A_687 = vector.load %arg7[%swap3A_683, %swap3A_684, %swap3A_685, %swap3A_686] : memref<5x80x1x256xf32, #tpu.memory_space<vmem>>, vector<1x1x1x256xf32>
        %swap3A_688 = vector.shape_cast %swap3A_687 : vector<1x1x1x256xf32> to vector<1x1x256xf32>
        %swap3A_689 = vector.shape_cast %add3A_682 : vector<1x1x256xf32> to vector<1x1x1x256xf32>
        tpu.vector_store %arg7[%swap3A_683, %swap3A_684, %swap3A_685, %swap3A_686], %swap3A_689 {strides = array<i32>} : memref<5x80x1x256xf32, #tpu.memory_space<vmem>>, vector<1x1x1x256xf32>,
        %while3A_690 = arith.constant 0 : i32
        scf.yield %while3A_690 : i32
      }
      %add3A_570 = arith.addi %get3A_355, %convert_element_type3A_493 : i32
      %swap3A_571 = arith.constant 0 : index
      %swap3A_572 = memref.load %arg8[%swap3A_571] : memref<1xi32, #tpu.memory_space<smem>>
      memref.store %add3A_570, %arg8[%swap3A_571] : memref<1xi32, #tpu.memory_space<smem>>
      %while3A_573 = arith.constant 0 : i32
      scf.yield %while3A_573 : i32
    }
    %while3A_225 = arith.constant 1 : i32
    %while3A_226 = scf.for %while3A_298 = %while3A_222 to %while3A_218 step %while3A_225 iter_args(%while3A_299 = %while3A_224) -> (i32)  : i32 {
      %eq3A_300 = vector.broadcast %while3A_298 : i32 to vector<1x128xi32>
      %eq3A_301 = arith.cmpi eq, %iota3A_215, %eq3A_300 : vector<1x128xi32>
      %convert_element_type3A_302 = arith.extui %eq3A_301 : vector<1x128xi1> to vector<1x128xi32>
      %convert_element_type3A_303 = arith.sitofp %convert_element_type3A_302 : vector<1x128xi32> to vector<1x128xf32>
      %get3A_304 = arith.constant 0 : index
      %get3A_305 = arith.constant 0 : index
      %get3A_306 = arith.constant 0 : index
      %get3A_307 = vector.load %arg5[%get3A_304, %get3A_305, %get3A_306] : memref<5x1024x128xf32, #tpu.memory_space<vmem>>, vector<1x1024x128xf32>
      %get3A_308 = vector.shape_cast %get3A_307 : vector<1x1024x128xf32> to vector<1024x128xf32>
      %mul3A_309 = vector.broadcast %convert_element_type3A_303 : vector<1x128xf32> to vector<1024x128xf32>
      %mul3A_310 = arith.mulf %get3A_308, %mul3A_309 : vector<1024x128xf32>
      %reduce_sum3A_311 = arith.constant dense<0.000000e+00> : vector<1024xf32>
      %reduce_sum3A_312 = vector.multi_reduction <add>, %mul3A_310, %reduce_sum3A_311 [1] : vector<1024x128xf32> to vector<1024xf32>
      %broadcast_in_dim3A_313 = vector.shape_cast %reduce_sum3A_312 : vector<1024xf32> to vector<1024x1xf32>
      %get3A_314 = arith.constant 1 : index
      %get3A_315 = arith.constant 0 : index
      %get3A_316 = arith.constant 0 : index
      %get3A_317 = vector.load %arg5[%get3A_314, %get3A_315, %get3A_316] : memref<5x1024x128xf32, #tpu.memory_space<vmem>>, vector<1x1024x128xf32>
      %get3A_318 = vector.shape_cast %get3A_317 : vector<1x1024x128xf32> to vector<1024x128xf32>
      %mul3A_319 = vector.broadcast %convert_element_type3A_303 : vector<1x128xf32> to vector<1024x128xf32>
      %mul3A_320 = arith.mulf %get3A_318, %mul3A_319 : vector<1024x128xf32>
      %reduce_sum3A_321 = arith.constant dense<0.000000e+00> : vector<1024xf32>
      %reduce_sum3A_322 = vector.multi_reduction <add>, %mul3A_320, %reduce_sum3A_321 [1] : vector<1024x128xf32> to vector<1024xf32>
      %broadcast_in_dim3A_323 = vector.shape_cast %reduce_sum3A_322 : vector<1024xf32> to vector<1024x1xf32>
      %get3A_324 = arith.constant 2 : index
      %get3A_325 = arith.constant 0 : index
      %get3A_326 = arith.constant 0 : index
      %get3A_327 = vector.load %arg5[%get3A_324, %get3A_325, %get3A_326] : memref<5x1024x128xf32, #tpu.memory_space<vmem>>, vector<1x1024x128xf32>
      %get3A_328 = vector.shape_cast %get3A_327 : vector<1x1024x128xf32> to vector<1024x128xf32>
      %mul3A_329 = vector.broadcast %convert_element_type3A_303 : vector<1x128xf32> to vector<1024x128xf32>
      %mul3A_330 = arith.mulf %get3A_328, %mul3A_329 : vector<1024x128xf32>
      %reduce_sum3A_331 = arith.constant dense<0.000000e+00> : vector<1024xf32>
      %reduce_sum3A_332 = vector.multi_reduction <add>, %mul3A_330, %reduce_sum3A_331 [1] : vector<1024x128xf32> to vector<1024xf32>
      %broadcast_in_dim3A_333 = vector.shape_cast %reduce_sum3A_332 : vector<1024xf32> to vector<1024x1xf32>
      %get3A_334 = arith.constant 3 : index
      %get3A_335 = arith.constant 0 : index
      %get3A_336 = arith.constant 0 : index
      %get3A_337 = vector.load %arg5[%get3A_334, %get3A_335, %get3A_336] : memref<5x1024x128xf32, #tpu.memory_space<vmem>>, vector<1x1024x128xf32>
      %get3A_338 = vector.shape_cast %get3A_337 : vector<1x1024x128xf32> to vector<1024x128xf32>
      %mul3A_339 = vector.broadcast %convert_element_type3A_303 : vector<1x128xf32> to vector<1024x128xf32>
      %mul3A_340 = arith.mulf %get3A_338, %mul3A_339 : vector<1024x128xf32>
      %reduce_sum3A_341 = arith.constant dense<0.000000e+00> : vector<1024xf32>
      %reduce_sum3A_342 = vector.multi_reduction <add>, %mul3A_340, %reduce_sum3A_341 [1] : vector<1024x128xf32> to vector<1024xf32>
      %broadcast_in_dim3A_343 = vector.shape_cast %reduce_sum3A_342 : vector<1024xf32> to vector<1024x1xf32>
      %get3A_344 = arith.constant 4 : index
      %get3A_345 = arith.constant 0 : index
      %get3A_346 = arith.constant 0 : index
      %get3A_347 = vector.load %arg5[%get3A_344, %get3A_345, %get3A_346] : memref<5x1024x128xf32, #tpu.memory_space<vmem>>, vector<1x1024x128xf32>
      %get3A_348 = vector.shape_cast %get3A_347 : vector<1x1024x128xf32> to vector<1024x128xf32>
      %mul3A_349 = vector.broadcast %convert_element_type3A_303 : vector<1x128xf32> to vector<1024x128xf32>
      %mul3A_350 = arith.mulf %get3A_348, %mul3A_349 : vector<1024x128xf32>
      %reduce_sum3A_351 = arith.constant dense<0.000000e+00> : vector<1024xf32>
      %reduce_sum3A_352 = vector.multi_reduction <add>, %mul3A_350, %reduce_sum3A_351 [1] : vector<1024x128xf32> to vector<1024xf32>
      %broadcast_in_dim3A_353 = vector.shape_cast %reduce_sum3A_352 : vector<1024xf32> to vector<1024x1xf32>
      %get3A_354 = arith.constant 0 : index
      %get3A_355 = memref.load %arg8[%get3A_354] : memref<1xi32, #tpu.memory_space<smem>>
      %add3A_356 = arith.constant 256 : i32
      %add3A_357 = arith.addi %get3A_355, %add3A_356 : i32
      %sub3A_358 = arith.constant 1 : i32
      %sub3A_359 = arith.subi %add3A_357, %sub3A_358 : i32
      %jit3A_360 = arith.constant 256 : i32
      %div3A_361 = arith.divsi %sub3A_359, %jit3A_360 : i32
      %sign3A_362 = arith.constant 0 : i32
      %sign3A_363 = arith.cmpi sgt, %sub3A_359, %sign3A_362 : i32
      %sign3A_364 = arith.extui %sign3A_363 : i1 to i32
      %sign3A_365 = arith.constant 0 : i32
      %sign3A_366 = arith.cmpi slt, %sub3A_359, %sign3A_365 : i32
      %sign3A_367 = arith.extui %sign3A_366 : i1 to i32
      %sign3A_368 = arith.subi %sign3A_364, %sign3A_367 : i32
      %sign3A_369 = arith.constant 0 : i32
      %sign3A_370 = arith.cmpi sgt, %jit3A_360, %sign3A_369 : i32
      %sign3A_371 = arith.extui %sign3A_370 : i1 to i32
      %sign3A_372 = arith.constant 0 : i32
      %sign3A_373 = arith.cmpi slt, %jit3A_360, %sign3A_372 : i32
      %sign3A_374 = arith.extui %sign3A_373 : i1 to i32
      %sign3A_375 = arith.subi %sign3A_371, %sign3A_374 : i32
      %ne3A_376 = arith.cmpi ne, %sign3A_368, %sign3A_375 : i32
      %rem3A_377 = arith.remsi %sub3A_359, %jit3A_360 : i32
      %ne3A_378 = arith.constant 0 : i32
      %ne3A_379 = arith.cmpi ne, %rem3A_377, %ne3A_378 : i32
      %and3A_380 = arith.andi %ne3A_376, %ne3A_379 : i1
      %sub3A_381 = arith.constant 1 : i32
      %sub3A_382 = arith.subi %div3A_361, %sub3A_381 : i32
      %select_n3A_383 = arith.select %and3A_380, %sub3A_382, %div3A_361 : i32
      %broadcast_in_dim3A_384 = arith.constant 0.000000e+00 : f32
      %broadcast_in_dim3A_385 = vector.broadcast %broadcast_in_dim3A_384 : f32 to vector<1024x1xf32>
      %while3A_386 = arith.constant 0 : i32
      %while3A_387 = arith.subi %select_n3A_383, %while3A_386 : i32
      %while3A_388 = arith.addi %while3A_386, %while3A_387 : i32
      %while3A_389 = arith.constant 1 : i32
      %while3A_390 = arith.divsi %while3A_387, %while3A_389 : i32
      %while3A_391 = arith.muli %while3A_390, %while3A_389 : i32
      %while3A_392 = arith.addi %while3A_386, %while3A_391 : i32
      %while3A_393 = arith.constant 1 : i32
      %while3A_394 = scf.for %while3A_574 = %while3A_386 to %while3A_392 step %while3A_393 iter_args(%while3A_575 = %broadcast_in_dim3A_385) -> (vector<1024x1xf32>)  : i32 {
        %get3A_576 = arith.constant 0 : index
        %get3A_577 = arith.index_cast %while3A_574 : i32 to index
        %get3A_578 = arith.constant 0 : index
        %get3A_579 = arith.constant 0 : index
        %get3A_580 = vector.load %arg7[%get3A_576, %get3A_577, %get3A_578, %get3A_579] : memref<5x80x1x256xf32, #tpu.memory_space<vmem>>, vector<1x1x1x256xf32>
        %get3A_581 = vector.shape_cast %get3A_580 : vector<1x1x1x256xf32> to vector<1x1x256xf32>
        %reshape3A_582 = vector.shape_cast %get3A_581 : vector<1x1x256xf32> to vector<1x256xf32>
        %get3A_583 = arith.constant 1 : index
        %get3A_584 = arith.index_cast %while3A_574 : i32 to index
        %get3A_585 = arith.constant 0 : index
        %get3A_586 = arith.constant 0 : index
        %get3A_587 = vector.load %arg7[%get3A_583, %get3A_584, %get3A_585, %get3A_586] : memref<5x80x1x256xf32, #tpu.memory_space<vmem>>, vector<1x1x1x256xf32>
        %get3A_588 = vector.shape_cast %get3A_587 : vector<1x1x1x256xf32> to vector<1x1x256xf32>
        %reshape3A_589 = vector.shape_cast %get3A_588 : vector<1x1x256xf32> to vector<1x256xf32>
        %get3A_590 = arith.constant 2 : index
        %get3A_591 = arith.index_cast %while3A_574 : i32 to index
        %get3A_592 = arith.constant 0 : index
        %get3A_593 = arith.constant 0 : index
        %get3A_594 = vector.load %arg7[%get3A_590, %get3A_591, %get3A_592, %get3A_593] : memref<5x80x1x256xf32, #tpu.memory_space<vmem>>, vector<1x1x1x256xf32>
        %get3A_595 = vector.shape_cast %get3A_594 : vector<1x1x1x256xf32> to vector<1x1x256xf32>
        %reshape3A_596 = vector.shape_cast %get3A_595 : vector<1x1x256xf32> to vector<1x256xf32>
        %get3A_597 = arith.constant 3 : index
        %get3A_598 = arith.index_cast %while3A_574 : i32 to index
        %get3A_599 = arith.constant 0 : index
        %get3A_600 = arith.constant 0 : index
        %get3A_601 = vector.load %arg7[%get3A_597, %get3A_598, %get3A_599, %get3A_600] : memref<5x80x1x256xf32, #tpu.memory_space<vmem>>, vector<1x1x1x256xf32>
        %get3A_602 = vector.shape_cast %get3A_601 : vector<1x1x1x256xf32> to vector<1x1x256xf32>
        %reshape3A_603 = vector.shape_cast %get3A_602 : vector<1x1x256xf32> to vector<1x256xf32>
        %get3A_604 = arith.constant 4 : index
        %get3A_605 = arith.index_cast %while3A_574 : i32 to index
        %get3A_606 = arith.constant 0 : index
        %get3A_607 = arith.constant 0 : index
        %get3A_608 = vector.load %arg7[%get3A_604, %get3A_605, %get3A_606, %get3A_607] : memref<5x80x1x256xf32, #tpu.memory_space<vmem>>, vector<1x1x1x256xf32>
        %get3A_609 = vector.shape_cast %get3A_608 : vector<1x1x1x256xf32> to vector<1x1x256xf32>
        %reshape3A_610 = vector.shape_cast %get3A_609 : vector<1x1x256xf32> to vector<1x256xf32>
        %max3A_611 = vector.broadcast %reshape3A_582 : vector<1x256xf32> to vector<1024x256xf32>
        %max3A_612 = vector.broadcast %broadcast_in_dim3A_313 : vector<1024x1xf32> to vector<1024x256xf32>
        %max3A_613 = arith.maximumf %max3A_611, %max3A_612 : vector<1024x256xf32>
        %max3A_614 = vector.broadcast %reshape3A_589 : vector<1x256xf32> to vector<1024x256xf32>
        %max3A_615 = vector.broadcast %broadcast_in_dim3A_323 : vector<1024x1xf32> to vector<1024x256xf32>
        %max3A_616 = arith.maximumf %max3A_614, %max3A_615 : vector<1024x256xf32>
        %min3A_617 = vector.broadcast %reshape3A_596 : vector<1x256xf32> to vector<1024x256xf32>
        %min3A_618 = vector.broadcast %broadcast_in_dim3A_333 : vector<1024x1xf32> to vector<1024x256xf32>
        %min3A_619 = arith.minimumf %min3A_617, %min3A_618 : vector<1024x256xf32>
        %min3A_620 = vector.broadcast %reshape3A_603 : vector<1x256xf32> to vector<1024x256xf32>
        %min3A_621 = vector.broadcast %broadcast_in_dim3A_343 : vector<1024x1xf32> to vector<1024x256xf32>
        %min3A_622 = arith.minimumf %min3A_620, %min3A_621 : vector<1024x256xf32>
        %sub3A_623 = arith.subf %min3A_619, %max3A_613 : vector<1024x256xf32>
        %max3A_624 = arith.constant 0.000000e+00 : f32
        %max3A_625 = vector.broadcast %max3A_624 : f32 to vector<1024x256xf32>
        %max3A_626 = arith.maximumf %sub3A_623, %max3A_625 : vector<1024x256xf32>
        %sub3A_627 = arith.subf %min3A_622, %max3A_616 : vector<1024x256xf32>
        %max3A_628 = arith.constant 0.000000e+00 : f32
        %max3A_629 = vector.broadcast %max3A_628 : f32 to vector<1024x256xf32>
        %max3A_630 = arith.maximumf %sub3A_627, %max3A_629 : vector<1024x256xf32>
        %mul3A_631 = arith.mulf %max3A_626, %max3A_630 : vector<1024x256xf32>
        %add3A_632 = vector.broadcast %reshape3A_610 : vector<1x256xf32> to vector<1024x256xf32>
        %add3A_633 = vector.broadcast %broadcast_in_dim3A_353 : vector<1024x1xf32> to vector<1024x256xf32>
        %add3A_634 = arith.addf %add3A_632, %add3A_633 : vector<1024x256xf32>
        %sub3A_635 = arith.subf %add3A_634, %mul3A_631 : vector<1024x256xf32>
        %add3A_636 = arith.constant 9.99999971E-10 : f32
        %add3A_637 = vector.broadcast %add3A_636 : f32 to vector<1024x256xf32>
        %add3A_638 = arith.addf %sub3A_635, %add3A_637 : vector<1024x256xf32>
        %div3A_639 = arith.divf %mul3A_631, %add3A_638 : vector<1024x256xf32>
        %gt3A_640 = vector.broadcast %get3A_0 : f32 to vector<1024x256xf32>
        %gt3A_641 = arith.cmpf ogt, %div3A_639, %gt3A_640 : vector<1024x256xf32>
        %convert_element_type3A_642 = arith.extui %gt3A_641 : vector<1024x256xi1> to vector<1024x256xi32>
        %convert_element_type3A_643 = arith.sitofp %convert_element_type3A_642 : vector<1024x256xi32> to vector<1024x256xf32>
        %reduce_max3A = arith.constant dense<0xFF800000> : vector<1024xf32>
        %reduce_max3A_644 = vector.multi_reduction <maximumf>, %convert_element_type3A_643, %reduce_max3A [1] : vector<1024x256xf32> to vector<1024xf32>
        %broadcast_in_dim3A_645 = vector.shape_cast %reduce_max3A_644 : vector<1024xf32> to vector<1024x1xf32>
        %max3A_646 = arith.maximumf %while3A_575, %broadcast_in_dim3A_645 : vector<1024x1xf32>
        scf.yield %max3A_646 : vector<1024x1xf32>
      }
      %while3A_395 = arith.constant 1 : i32
      %while3A_396 = scf.for %while3A_574 = %while3A_392 to %while3A_388 step %while3A_395 iter_args(%while3A_575 = %while3A_394) -> (vector<1024x1xf32>)  : i32 {
        %get3A_576 = arith.constant 0 : index
        %get3A_577 = arith.index_cast %while3A_574 : i32 to index
        %get3A_578 = arith.constant 0 : index
        %get3A_579 = arith.constant 0 : index
        %get3A_580 = vector.load %arg7[%get3A_576, %get3A_577, %get3A_578, %get3A_579] : memref<5x80x1x256xf32, #tpu.memory_space<vmem>>, vector<1x1x1x256xf32>
        %get3A_581 = vector.shape_cast %get3A_580 : vector<1x1x1x256xf32> to vector<1x1x256xf32>
        %reshape3A_582 = vector.shape_cast %get3A_581 : vector<1x1x256xf32> to vector<1x256xf32>
        %get3A_583 = arith.constant 1 : index
        %get3A_584 = arith.index_cast %while3A_574 : i32 to index
        %get3A_585 = arith.constant 0 : index
        %get3A_586 = arith.constant 0 : index
        %get3A_587 = vector.load %arg7[%get3A_583, %get3A_584, %get3A_585, %get3A_586] : memref<5x80x1x256xf32, #tpu.memory_space<vmem>>, vector<1x1x1x256xf32>
        %get3A_588 = vector.shape_cast %get3A_587 : vector<1x1x1x256xf32> to vector<1x1x256xf32>
        %reshape3A_589 = vector.shape_cast %get3A_588 : vector<1x1x256xf32> to vector<1x256xf32>
        %get3A_590 = arith.constant 2 : index
        %get3A_591 = arith.index_cast %while3A_574 : i32 to index
        %get3A_592 = arith.constant 0 : index
        %get3A_593 = arith.constant 0 : index
        %get3A_594 = vector.load %arg7[%get3A_590, %get3A_591, %get3A_592, %get3A_593] : memref<5x80x1x256xf32, #tpu.memory_space<vmem>>, vector<1x1x1x256xf32>
        %get3A_595 = vector.shape_cast %get3A_594 : vector<1x1x1x256xf32> to vector<1x1x256xf32>
        %reshape3A_596 = vector.shape_cast %get3A_595 : vector<1x1x256xf32> to vector<1x256xf32>
        %get3A_597 = arith.constant 3 : index
        %get3A_598 = arith.index_cast %while3A_574 : i32 to index
        %get3A_599 = arith.constant 0 : index
        %get3A_600 = arith.constant 0 : index
        %get3A_601 = vector.load %arg7[%get3A_597, %get3A_598, %get3A_599, %get3A_600] : memref<5x80x1x256xf32, #tpu.memory_space<vmem>>, vector<1x1x1x256xf32>
        %get3A_602 = vector.shape_cast %get3A_601 : vector<1x1x1x256xf32> to vector<1x1x256xf32>
        %reshape3A_603 = vector.shape_cast %get3A_602 : vector<1x1x256xf32> to vector<1x256xf32>
        %get3A_604 = arith.constant 4 : index
        %get3A_605 = arith.index_cast %while3A_574 : i32 to index
        %get3A_606 = arith.constant 0 : index
        %get3A_607 = arith.constant 0 : index
        %get3A_608 = vector.load %arg7[%get3A_604, %get3A_605, %get3A_606, %get3A_607] : memref<5x80x1x256xf32, #tpu.memory_space<vmem>>, vector<1x1x1x256xf32>
        %get3A_609 = vector.shape_cast %get3A_608 : vector<1x1x1x256xf32> to vector<1x1x256xf32>
        %reshape3A_610 = vector.shape_cast %get3A_609 : vector<1x1x256xf32> to vector<1x256xf32>
        %max3A_611 = vector.broadcast %reshape3A_582 : vector<1x256xf32> to vector<1024x256xf32>
        %max3A_612 = vector.broadcast %broadcast_in_dim3A_313 : vector<1024x1xf32> to vector<1024x256xf32>
        %max3A_613 = arith.maximumf %max3A_611, %max3A_612 : vector<1024x256xf32>
        %max3A_614 = vector.broadcast %reshape3A_589 : vector<1x256xf32> to vector<1024x256xf32>
        %max3A_615 = vector.broadcast %broadcast_in_dim3A_323 : vector<1024x1xf32> to vector<1024x256xf32>
        %max3A_616 = arith.maximumf %max3A_614, %max3A_615 : vector<1024x256xf32>
        %min3A_617 = vector.broadcast %reshape3A_596 : vector<1x256xf32> to vector<1024x256xf32>
        %min3A_618 = vector.broadcast %broadcast_in_dim3A_333 : vector<1024x1xf32> to vector<1024x256xf32>
        %min3A_619 = arith.minimumf %min3A_617, %min3A_618 : vector<1024x256xf32>
        %min3A_620 = vector.broadcast %reshape3A_603 : vector<1x256xf32> to vector<1024x256xf32>
        %min3A_621 = vector.broadcast %broadcast_in_dim3A_343 : vector<1024x1xf32> to vector<1024x256xf32>
        %min3A_622 = arith.minimumf %min3A_620, %min3A_621 : vector<1024x256xf32>
        %sub3A_623 = arith.subf %min3A_619, %max3A_613 : vector<1024x256xf32>
        %max3A_624 = arith.constant 0.000000e+00 : f32
        %max3A_625 = vector.broadcast %max3A_624 : f32 to vector<1024x256xf32>
        %max3A_626 = arith.maximumf %sub3A_623, %max3A_625 : vector<1024x256xf32>
        %sub3A_627 = arith.subf %min3A_622, %max3A_616 : vector<1024x256xf32>
        %max3A_628 = arith.constant 0.000000e+00 : f32
        %max3A_629 = vector.broadcast %max3A_628 : f32 to vector<1024x256xf32>
        %max3A_630 = arith.maximumf %sub3A_627, %max3A_629 : vector<1024x256xf32>
        %mul3A_631 = arith.mulf %max3A_626, %max3A_630 : vector<1024x256xf32>
        %add3A_632 = vector.broadcast %reshape3A_610 : vector<1x256xf32> to vector<1024x256xf32>
        %add3A_633 = vector.broadcast %broadcast_in_dim3A_353 : vector<1024x1xf32> to vector<1024x256xf32>
        %add3A_634 = arith.addf %add3A_632, %add3A_633 : vector<1024x256xf32>
        %sub3A_635 = arith.subf %add3A_634, %mul3A_631 : vector<1024x256xf32>
        %add3A_636 = arith.constant 9.99999971E-10 : f32
        %add3A_637 = vector.broadcast %add3A_636 : f32 to vector<1024x256xf32>
        %add3A_638 = arith.addf %sub3A_635, %add3A_637 : vector<1024x256xf32>
        %div3A_639 = arith.divf %mul3A_631, %add3A_638 : vector<1024x256xf32>
        %gt3A_640 = vector.broadcast %get3A_0 : f32 to vector<1024x256xf32>
        %gt3A_641 = arith.cmpf ogt, %div3A_639, %gt3A_640 : vector<1024x256xf32>
        %convert_element_type3A_642 = arith.extui %gt3A_641 : vector<1024x256xi1> to vector<1024x256xi32>
        %convert_element_type3A_643 = arith.sitofp %convert_element_type3A_642 : vector<1024x256xi32> to vector<1024x256xf32>
        %reduce_max3A = arith.constant dense<0xFF800000> : vector<1024xf32>
        %reduce_max3A_644 = vector.multi_reduction <maximumf>, %convert_element_type3A_643, %reduce_max3A [1] : vector<1024x256xf32> to vector<1024xf32>
        %broadcast_in_dim3A_645 = vector.shape_cast %reduce_max3A_644 : vector<1024xf32> to vector<1024x1xf32>
        %max3A_646 = arith.maximumf %while3A_575, %broadcast_in_dim3A_645 : vector<1024x1xf32>
        scf.yield %max3A_646 : vector<1024x1xf32>
      }
      %dot_general3A = arith.constant dense<0.000000e+00> : vector<1x1024xf32>
      %dot_general3A_397 = tpu.matmul %while3A_396, %convert_element_type3A_210, %dot_general3A {dimension_numbers = #tpu.dot_dimension_numbers<[0], [0], [1], [1], [0, 1, 1, 1], [], []>, transpose_lhs_hint = false} : vector<1024x1xf32>, vector<1024x1024xf32>, vector<1x1024xf32> -> vector<1x1024xf32>
      %gt3A_398 = arith.constant 5.000000e-01 : f32
      %gt3A_399 = vector.broadcast %gt3A_398 : f32 to vector<1x1024xf32>
      %gt3A_400 = arith.cmpf ogt, %dot_general3A_397, %gt3A_399 : vector<1x1024xf32>
      %convert_element_type3A_401 = arith.extui %gt3A_400 : vector<1x1024xi1> to vector<1x1024xi32>
      %convert_element_type3A_402 = arith.sitofp %convert_element_type3A_401 : vector<1x1024xi32> to vector<1x1024xf32>
      %get3A_403 = arith.constant 0 : index
      %get3A_404 = arith.index_cast %while3A_298 : i32 to index
      %get3A_405 = arith.constant 0 : index
      %get3A_406 = arith.constant 0 : index
      %get3A_407 = vector.load %arg4[%get3A_403, %get3A_404, %get3A_405, %get3A_406] : memref<5x20x1x1024xf32, #tpu.memory_space<vmem>>, vector<1x1x1x1024xf32>
      %get3A_408 = vector.shape_cast %get3A_407 : vector<1x1x1x1024xf32> to vector<1x1x1024xf32>
      %reshape3A = vector.shape_cast %get3A_408 : vector<1x1x1024xf32> to vector<1x1024xf32>
      %get3A_409 = arith.constant 1 : index
      %get3A_410 = arith.index_cast %while3A_298 : i32 to index
      %get3A_411 = arith.constant 0 : index
      %get3A_412 = arith.constant 0 : index
      %get3A_413 = vector.load %arg4[%get3A_409, %get3A_410, %get3A_411, %get3A_412] : memref<5x20x1x1024xf32, #tpu.memory_space<vmem>>, vector<1x1x1x1024xf32>
      %get3A_414 = vector.shape_cast %get3A_413 : vector<1x1x1x1024xf32> to vector<1x1x1024xf32>
      %reshape3A_415 = vector.shape_cast %get3A_414 : vector<1x1x1024xf32> to vector<1x1024xf32>
      %get3A_416 = arith.constant 2 : index
      %get3A_417 = arith.index_cast %while3A_298 : i32 to index
      %get3A_418 = arith.constant 0 : index
      %get3A_419 = arith.constant 0 : index
      %get3A_420 = vector.load %arg4[%get3A_416, %get3A_417, %get3A_418, %get3A_419] : memref<5x20x1x1024xf32, #tpu.memory_space<vmem>>, vector<1x1x1x1024xf32>
      %get3A_421 = vector.shape_cast %get3A_420 : vector<1x1x1x1024xf32> to vector<1x1x1024xf32>
      %reshape3A_422 = vector.shape_cast %get3A_421 : vector<1x1x1024xf32> to vector<1x1024xf32>
      %get3A_423 = arith.constant 3 : index
      %get3A_424 = arith.index_cast %while3A_298 : i32 to index
      %get3A_425 = arith.constant 0 : index
      %get3A_426 = arith.constant 0 : index
      %get3A_427 = vector.load %arg4[%get3A_423, %get3A_424, %get3A_425, %get3A_426] : memref<5x20x1x1024xf32, #tpu.memory_space<vmem>>, vector<1x1x1x1024xf32>
      %get3A_428 = vector.shape_cast %get3A_427 : vector<1x1x1x1024xf32> to vector<1x1x1024xf32>
      %reshape3A_429 = vector.shape_cast %get3A_428 : vector<1x1x1024xf32> to vector<1x1024xf32>
      %get3A_430 = arith.constant 4 : index
      %get3A_431 = arith.index_cast %while3A_298 : i32 to index
      %get3A_432 = arith.constant 0 : index
      %get3A_433 = arith.constant 0 : index
      %get3A_434 = vector.load %arg4[%get3A_430, %get3A_431, %get3A_432, %get3A_433] : memref<5x20x1x1024xf32, #tpu.memory_space<vmem>>, vector<1x1x1x1024xf32>
      %get3A_435 = vector.shape_cast %get3A_434 : vector<1x1x1x1024xf32> to vector<1x1x1024xf32>
      %reshape3A_436 = vector.shape_cast %get3A_435 : vector<1x1x1024xf32> to vector<1x1024xf32>
      %max3A_437 = vector.broadcast %broadcast_in_dim3A_313 : vector<1024x1xf32> to vector<1024x1024xf32>
      %max3A_438 = vector.broadcast %reshape3A : vector<1x1024xf32> to vector<1024x1024xf32>
      %max3A_439 = arith.maximumf %max3A_437, %max3A_438 : vector<1024x1024xf32>
      %max3A_440 = vector.broadcast %broadcast_in_dim3A_323 : vector<1024x1xf32> to vector<1024x1024xf32>
      %max3A_441 = vector.broadcast %reshape3A_415 : vector<1x1024xf32> to vector<1024x1024xf32>
      %max3A_442 = arith.maximumf %max3A_440, %max3A_441 : vector<1024x1024xf32>
      %min3A = vector.broadcast %broadcast_in_dim3A_333 : vector<1024x1xf32> to vector<1024x1024xf32>
      %min3A_443 = vector.broadcast %reshape3A_422 : vector<1x1024xf32> to vector<1024x1024xf32>
      %min3A_444 = arith.minimumf %min3A, %min3A_443 : vector<1024x1024xf32>
      %min3A_445 = vector.broadcast %broadcast_in_dim3A_343 : vector<1024x1xf32> to vector<1024x1024xf32>
      %min3A_446 = vector.broadcast %reshape3A_429 : vector<1x1024xf32> to vector<1024x1024xf32>
      %min3A_447 = arith.minimumf %min3A_445, %min3A_446 : vector<1024x1024xf32>
      %sub3A_448 = arith.subf %min3A_444, %max3A_439 : vector<1024x1024xf32>
      %max3A_449 = arith.constant 0.000000e+00 : f32
      %max3A_450 = vector.broadcast %max3A_449 : f32 to vector<1024x1024xf32>
      %max3A_451 = arith.maximumf %sub3A_448, %max3A_450 : vector<1024x1024xf32>
      %sub3A_452 = arith.subf %min3A_447, %max3A_442 : vector<1024x1024xf32>
      %max3A_453 = arith.constant 0.000000e+00 : f32
      %max3A_454 = vector.broadcast %max3A_453 : f32 to vector<1024x1024xf32>
      %max3A_455 = arith.maximumf %sub3A_452, %max3A_454 : vector<1024x1024xf32>
      %mul3A_456 = arith.mulf %max3A_451, %max3A_455 : vector<1024x1024xf32>
      %add3A_457 = vector.broadcast %broadcast_in_dim3A_353 : vector<1024x1xf32> to vector<1024x1024xf32>
      %add3A_458 = vector.broadcast %reshape3A_436 : vector<1x1024xf32> to vector<1024x1024xf32>
      %add3A_459 = arith.addf %add3A_457, %add3A_458 : vector<1024x1024xf32>
      %sub3A_460 = arith.subf %add3A_459, %mul3A_456 : vector<1024x1024xf32>
      %add3A_461 = arith.constant 9.99999971E-10 : f32
      %add3A_462 = vector.broadcast %add3A_461 : f32 to vector<1024x1024xf32>
      %add3A_463 = arith.addf %sub3A_460, %add3A_462 : vector<1024x1024xf32>
      %div3A_464 = arith.divf %mul3A_456, %add3A_463 : vector<1024x1024xf32>
      %gt3A_465 = vector.broadcast %get3A_0 : f32 to vector<1024x1024xf32>
      %gt3A_466 = arith.cmpf ogt, %div3A_464, %gt3A_465 : vector<1024x1024xf32>
      %convert_element_type3A_467 = arith.extui %gt3A_466 : vector<1024x1024xi1> to vector<1024x1024xi32>
      %convert_element_type3A_468 = arith.sitofp %convert_element_type3A_467 : vector<1024x1024xi32> to vector<1024x1024xf32>
      %mul3A_469 = arith.mulf %convert_element_type3A_468, %convert_element_type3A_208 : vector<1024x1024xf32>
      %get3A_470 = arith.index_cast %while3A_298 : i32 to index
      %get3A_471 = arith.constant 0 : index
      %get3A_472 = arith.constant 0 : index
      %get3A_473 = vector.load %arg6[%get3A_470, %get3A_471, %get3A_472] : memref<20x1x1024xf32, #tpu.memory_space<vmem>>, vector<1x1x1024xf32>
      %reshape3A_474 = vector.shape_cast %get3A_473 : vector<1x1x1024xf32> to vector<1x1024xf32>
      %max3A_475 = arith.maximumf %reshape3A_474, %convert_element_type3A_402 : vector<1x1024xf32>
      %broadcast_in_dim3A_476 = arith.constant 0.000000e+00 : f32
      %broadcast_in_dim3A_477 = vector.broadcast %broadcast_in_dim3A_476 : f32 to vector<1x1024xf32>
      %while3A_478 = arith.constant 0 : i32
      %while3A_479:3 = scf.while (%while3A_574 = %max3A_475, %while3A_575 = %broadcast_in_dim3A_477, %while3A_576 = %while3A_478) : (vector<1x1024xf32>, vector<1x1024xf32>, i32) -> (vector<1x1024xf32>, vector<1x1024xf32>, i32) {
        %sub3A_577 = arith.constant 1.000000e+00 : f32
        %sub3A_578 = vector.broadcast %sub3A_577 : f32 to vector<1x1024xf32>
        %sub3A_579 = arith.subf %sub3A_578, %while3A_574 : vector<1x1024xf32>
        %sub3A_580 = arith.constant 1.000000e+00 : f32
        %sub3A_581 = vector.broadcast %sub3A_580 : f32 to vector<1x1024xf32>
        %sub3A_582 = arith.subf %sub3A_581, %while3A_575 : vector<1x1024xf32>
        %mul3A_583 = arith.mulf %sub3A_579, %sub3A_582 : vector<1x1024xf32>
        %reduce_sum3A_584 = vector.shape_cast %mul3A_583 : vector<1x1024xf32> to vector<1x1x1024xf32>
        %reduce_sum3A_585 = arith.constant dense<0.000000e+00> : vector<1xf32>
        %reduce_sum3A_586 = vector.multi_reduction <add>, %reduce_sum3A_584, %reduce_sum3A_585 [1, 2] : vector<1x1x1024xf32> to vector<1xf32>
        %reduce_sum3A_587 = vector.shape_cast %reduce_sum3A_586 : vector<1xf32> to vector<1x1x1xf32>
        %reduce_sum3A_588 = vector.extract %reduce_sum3A_587[0, 0, 0] : f32 from vector<1x1x1xf32>
        %gt3A_589 = arith.constant 0.000000e+00 : f32
        %gt3A_590 = arith.cmpf ogt, %reduce_sum3A_588, %gt3A_589 : f32
        %lt3A_591 = arith.constant 1024 : i32
        %lt3A_592 = arith.cmpi slt, %while3A_576, %lt3A_591 : i32
        %and3A_593 = arith.andi %gt3A_590, %lt3A_592 : i1
        scf.condition(%and3A_593) %while3A_574, %while3A_575, %while3A_576 : vector<1x1024xf32>, vector<1x1024xf32>, i32
      } do {
      ^bb0(%while3A_574: vector<1x1024xf32>, %while3A_575: vector<1x1024xf32>, %while3A_576: i32):
        %sub3A_577 = arith.constant 1.000000e+00 : f32
        %sub3A_578 = vector.broadcast %sub3A_577 : f32 to vector<1x1024xf32>
        %sub3A_579 = arith.subf %sub3A_578, %while3A_574 : vector<1x1024xf32>
        %dot_general3A_580 = arith.constant dense<0.000000e+00> : vector<1x1024xf32>
        %dot_general3A_581 = tpu.matmul %sub3A_579, %mul3A_469, %dot_general3A_580 {dimension_numbers = #tpu.dot_dimension_numbers<[1], [0], [0], [1], [0, 0, 1, 1], [], []>, transpose_lhs_hint = false} : vector<1x1024xf32>, vector<1024x1024xf32>, vector<1x1024xf32> -> vector<1x1024xf32>
        %le3A_582 = arith.constant 0.000000e+00 : f32
        %le3A_583 = vector.broadcast %le3A_582 : f32 to vector<1x1024xf32>
        %le3A_584 = arith.cmpf ole, %dot_general3A_581, %le3A_583 : vector<1x1024xf32>
        %convert_element_type3A_585 = arith.extui %le3A_584 : vector<1x1024xi1> to vector<1x1024xi32>
        %convert_element_type3A_586 = arith.sitofp %convert_element_type3A_585 : vector<1x1024xi32> to vector<1x1024xf32>
        %mul3A_587 = arith.mulf %sub3A_579, %convert_element_type3A_586 : vector<1x1024xf32>
        %max3A_588 = arith.maximumf %while3A_575, %mul3A_587 : vector<1x1024xf32>
        %dot_general3A_589 = arith.constant dense<0.000000e+00> : vector<1x1024xf32>
        %dot_general3A_590 = tpu.matmul %max3A_588, %mul3A_469, %dot_general3A_589 {dimension_numbers = #tpu.dot_dimension_numbers<[1], [0], [0], [1], [0, 0, 1, 1], [], []>, transpose_lhs_hint = false} : vector<1x1024xf32>, vector<1024x1024xf32>, vector<1x1024xf32> -> vector<1x1024xf32>
        %gt3A_591 = arith.constant 0.000000e+00 : f32
        %gt3A_592 = vector.broadcast %gt3A_591 : f32 to vector<1x1024xf32>
        %gt3A_593 = arith.cmpf ogt, %dot_general3A_590, %gt3A_592 : vector<1x1024xf32>
        %convert_element_type3A_594 = arith.extui %gt3A_593 : vector<1x1024xi1> to vector<1x1024xi32>
        %convert_element_type3A_595 = arith.sitofp %convert_element_type3A_594 : vector<1x1024xi32> to vector<1x1024xf32>
        %sub3A_596 = arith.constant 1.000000e+00 : f32
        %sub3A_597 = vector.broadcast %sub3A_596 : f32 to vector<1x1024xf32>
        %sub3A_598 = arith.subf %sub3A_597, %max3A_588 : vector<1x1024xf32>
        %mul3A_599 = arith.mulf %convert_element_type3A_595, %sub3A_598 : vector<1x1024xf32>
        %max3A_600 = arith.maximumf %while3A_574, %mul3A_599 : vector<1x1024xf32>
        %add3A_601 = arith.constant 1 : i32
        %add3A_602 = arith.addi %while3A_576, %add3A_601 : i32
        scf.yield %max3A_600, %max3A_588, %add3A_602 : vector<1x1024xf32>, vector<1x1024xf32>, i32
      }
      %sub3A_480 = arith.constant 1.000000e+00 : f32
      %sub3A_481 = vector.broadcast %sub3A_480 : f32 to vector<1x1024xf32>
      %sub3A_482 = arith.subf %sub3A_481, %while3A_479#1 : vector<1x1024xf32>
      %reshape3A_483 = vector.shape_cast %sub3A_482 : vector<1x1024xf32> to vector<1x1x1024xf32>
      %swap3A_484 = arith.index_cast %while3A_298 : i32 to index
      %swap3A_485 = arith.constant 0 : index
      %swap3A_486 = arith.constant 0 : index
      %swap3A_487 = vector.load %arg6[%swap3A_484, %swap3A_485, %swap3A_486] : memref<20x1x1024xf32, #tpu.memory_space<vmem>>, vector<1x1x1024xf32>
      tpu.vector_store %arg6[%swap3A_484, %swap3A_485, %swap3A_486], %reshape3A_483 {strides = array<i32>} : memref<20x1x1024xf32, #tpu.memory_space<vmem>>, vector<1x1x1024xf32>,
      %reduce_sum3A_488 = vector.shape_cast %while3A_479#1 : vector<1x1024xf32> to vector<1x1x1024xf32>
      %reduce_sum3A_489 = arith.constant dense<0.000000e+00> : vector<1xf32>
      %reduce_sum3A_490 = vector.multi_reduction <add>, %reduce_sum3A_488, %reduce_sum3A_489 [1, 2] : vector<1x1x1024xf32> to vector<1xf32>
      %reduce_sum3A_491 = vector.shape_cast %reduce_sum3A_490 : vector<1xf32> to vector<1x1x1xf32>
      %reduce_sum3A_492 = vector.extract %reduce_sum3A_491[0, 0, 0] : f32 from vector<1x1x1xf32>
      %convert_element_type3A_493 = arith.fptosi %reduce_sum3A_492 : f32 to i32
      %dot_general3A_494 = arith.constant dense<0.000000e+00> : vector<1024x1xf32>
      %dot_general3A_495 = tpu.matmul %convert_element_type3A_210, %while3A_479#1, %dot_general3A_494 {dimension_numbers = #tpu.dot_dimension_numbers<[1], [1], [0], [0], [0, 0, 1, 0], [], []>, transpose_lhs_hint = false} : vector<1024x1024xf32>, vector<1x1024xf32>, vector<1024x1xf32> -> vector<1024x1xf32>
      %gt3A_496 = arith.constant 5.000000e-01 : f32
      %gt3A_497 = vector.broadcast %gt3A_496 : f32 to vector<1024x1xf32>
      %gt3A_498 = arith.cmpf ogt, %dot_general3A_495, %gt3A_497 : vector<1024x1xf32>
      %convert_element_type3A_499 = arith.extui %gt3A_498 : vector<1024x1xi1> to vector<1024x1xi32>
      %convert_element_type3A_500 = arith.sitofp %convert_element_type3A_499 : vector<1024x1xi32> to vector<1024x1xf32>
      %dot_general3A_501 = arith.constant dense<0.000000e+00> : vector<1024x1xf32>
      %dot_general3A_502 = tpu.matmul %convert_element_type3A_212, %convert_element_type3A_500, %dot_general3A_501 {dimension_numbers = #tpu.dot_dimension_numbers<[1], [0], [0], [1], [0, 0, 1, 1], [], []>, transpose_lhs_hint = false} : vector<1024x1024xf32>, vector<1024x1xf32>, vector<1024x1xf32> -> vector<1024x1xf32>
      %convert_element_type3A_503 = arith.sitofp %get3A_355 : i32 to f32
      %add3A_504 = vector.broadcast %convert_element_type3A_503 : f32 to vector<1024x1xf32>
      %add3A_505 = arith.addf %dot_general3A_502, %add3A_504 : vector<1024x1xf32>
      %jit3A_506 = arith.constant 256 : i32
      %div3A_507 = arith.divsi %get3A_355, %jit3A_506 : i32
      %sign3A_508 = arith.constant 0 : i32
      %sign3A_509 = arith.cmpi sgt, %get3A_355, %sign3A_508 : i32
      %sign3A_510 = arith.extui %sign3A_509 : i1 to i32
      %sign3A_511 = arith.constant 0 : i32
      %sign3A_512 = arith.cmpi slt, %get3A_355, %sign3A_511 : i32
      %sign3A_513 = arith.extui %sign3A_512 : i1 to i32
      %sign3A_514 = arith.subi %sign3A_510, %sign3A_513 : i32
      %sign3A_515 = arith.constant 0 : i32
      %sign3A_516 = arith.cmpi sgt, %jit3A_506, %sign3A_515 : i32
      %sign3A_517 = arith.extui %sign3A_516 : i1 to i32
      %sign3A_518 = arith.constant 0 : i32
      %sign3A_519 = arith.cmpi slt, %jit3A_506, %sign3A_518 : i32
      %sign3A_520 = arith.extui %sign3A_519 : i1 to i32
      %sign3A_521 = arith.subi %sign3A_517, %sign3A_520 : i32
      %ne3A_522 = arith.cmpi ne, %sign3A_514, %sign3A_521 : i32
      %rem3A_523 = arith.remsi %get3A_355, %jit3A_506 : i32
      %ne3A_524 = arith.constant 0 : i32
      %ne3A_525 = arith.cmpi ne, %rem3A_523, %ne3A_524 : i32
      %and3A_526 = arith.andi %ne3A_522, %ne3A_525 : i1
      %sub3A_527 = arith.constant 1 : i32
      %sub3A_528 = arith.subi %div3A_507, %sub3A_527 : i32
      %select_n3A_529 = arith.select %and3A_526, %sub3A_528, %div3A_507 : i32
      %add3A_530 = arith.addi %get3A_355, %convert_element_type3A_493 : i32
      %add3A_531 = arith.constant 256 : i32
      %add3A_532 = arith.addi %add3A_530, %add3A_531 : i32
      %sub3A_533 = arith.constant 1 : i32
      %sub3A_534 = arith.subi %add3A_532, %sub3A_533 : i32
      %jit3A_535 = arith.constant 256 : i32
      %div3A_536 = arith.divsi %sub3A_534, %jit3A_535 : i32
      %sign3A_537 = arith.constant 0 : i32
      %sign3A_538 = arith.cmpi sgt, %sub3A_534, %sign3A_537 : i32
      %sign3A_539 = arith.extui %sign3A_538 : i1 to i32
      %sign3A_540 = arith.constant 0 : i32
      %sign3A_541 = arith.cmpi slt, %sub3A_534, %sign3A_540 : i32
      %sign3A_542 = arith.extui %sign3A_541 : i1 to i32
      %sign3A_543 = arith.subi %sign3A_539, %sign3A_542 : i32
      %sign3A_544 = arith.constant 0 : i32
      %sign3A_545 = arith.cmpi sgt, %jit3A_535, %sign3A_544 : i32
      %sign3A_546 = arith.extui %sign3A_545 : i1 to i32
      %sign3A_547 = arith.constant 0 : i32
      %sign3A_548 = arith.cmpi slt, %jit3A_535, %sign3A_547 : i32
      %sign3A_549 = arith.extui %sign3A_548 : i1 to i32
      %sign3A_550 = arith.subi %sign3A_546, %sign3A_549 : i32
      %ne3A_551 = arith.cmpi ne, %sign3A_543, %sign3A_550 : i32
      %rem3A_552 = arith.remsi %sub3A_534, %jit3A_535 : i32
      %ne3A_553 = arith.constant 0 : i32
      %ne3A_554 = arith.cmpi ne, %rem3A_552, %ne3A_553 : i32
      %and3A_555 = arith.andi %ne3A_551, %ne3A_554 : i1
      %sub3A_556 = arith.constant 1 : i32
      %sub3A_557 = arith.subi %div3A_536, %sub3A_556 : i32
      %select_n3A_558 = arith.select %and3A_555, %sub3A_557, %div3A_536 : i32
      %while3A_559 = arith.constant 0 : i32
      %while3A_560 = arith.subi %select_n3A_558, %select_n3A_529 : i32
      %while3A_561 = arith.addi %select_n3A_529, %while3A_560 : i32
      %while3A_562 = arith.constant 1 : i32
      %while3A_563 = arith.divsi %while3A_560, %while3A_562 : i32
      %while3A_564 = arith.muli %while3A_563, %while3A_562 : i32
      %while3A_565 = arith.addi %select_n3A_529, %while3A_564 : i32
      %while3A_566 = arith.constant 1 : i32
      %while3A_567 = scf.for %while3A_574 = %select_n3A_529 to %while3A_565 step %while3A_566 iter_args(%while3A_575 = %while3A_559) -> (i32)  : i32 {
        %mul3A_576 = arith.constant 256 : i32
        %mul3A_577 = arith.muli %while3A_574, %mul3A_576 : i32
        %convert_element_type3A_578 = arith.sitofp %mul3A_577 : i32 to f32
        %add3A_579 = vector.broadcast %convert_element_type3A_578 : f32 to vector<1024x256xf32>
        %add3A_580 = arith.addf %convert_element_type3A_214, %add3A_579 : vector<1024x256xf32>
        %sub3A_581 = vector.broadcast %add3A_505 : vector<1024x1xf32> to vector<1024x256xf32>
        %sub3A_582 = arith.subf %sub3A_581, %add3A_580 : vector<1024x256xf32>
        %abs3A = math.absf %sub3A_582 : vector<1024x256xf32>
        %lt3A_583 = arith.constant 5.000000e-01 : f32
        %lt3A_584 = vector.broadcast %lt3A_583 : f32 to vector<1024x256xf32>
        %lt3A_585 = arith.cmpf olt, %abs3A, %lt3A_584 : vector<1024x256xf32>
        %convert_element_type3A_586 = arith.extui %lt3A_585 : vector<1024x256xi1> to vector<1024x256xi32>
        %convert_element_type3A_587 = arith.sitofp %convert_element_type3A_586 : vector<1024x256xi32> to vector<1024x256xf32>
        %mul3A_588 = vector.broadcast %convert_element_type3A_500 : vector<1024x1xf32> to vector<1024x256xf32>
        %mul3A_589 = arith.mulf %convert_element_type3A_587, %mul3A_588 : vector<1024x256xf32>
        %get3A_590 = arith.constant 0 : index
        %get3A_591 = arith.index_cast %while3A_574 : i32 to index
        %get3A_592 = arith.constant 0 : index
        %get3A_593 = arith.constant 0 : index
        %get3A_594 = vector.load %arg7[%get3A_590, %get3A_591, %get3A_592, %get3A_593] : memref<5x80x1x256xf32, #tpu.memory_space<vmem>>, vector<1x1x1x256xf32>
        %get3A_595 = vector.shape_cast %get3A_594 : vector<1x1x1x256xf32> to vector<1x1x256xf32>
        %mul3A_596 = vector.broadcast %broadcast_in_dim3A_313 : vector<1024x1xf32> to vector<1024x256xf32>
        %mul3A_597 = arith.mulf %mul3A_589, %mul3A_596 : vector<1024x256xf32>
        %reduce_sum3A_598 = arith.constant dense<0.000000e+00> : vector<256xf32>
        %reduce_sum3A_599 = vector.multi_reduction <add>, %mul3A_597, %reduce_sum3A_598 [0] : vector<1024x256xf32> to vector<256xf32>
        %broadcast_in_dim3A_600 = vector.shape_cast %reduce_sum3A_599 : vector<256xf32> to vector<1x256xf32>
        %reshape3A_601 = vector.shape_cast %broadcast_in_dim3A_600 : vector<1x256xf32> to vector<1x1x256xf32>
        %add3A_602 = arith.addf %get3A_595, %reshape3A_601 : vector<1x1x256xf32>
        %swap3A_603 = arith.constant 0 : index
        %swap3A_604 = arith.index_cast %while3A_574 : i32 to index
        %swap3A_605 = arith.constant 0 : index
        %swap3A_606 = arith.constant 0 : index
        %swap3A_607 = vector.load %arg7[%swap3A_603, %swap3A_604, %swap3A_605, %swap3A_606] : memref<5x80x1x256xf32, #tpu.memory_space<vmem>>, vector<1x1x1x256xf32>
        %swap3A_608 = vector.shape_cast %swap3A_607 : vector<1x1x1x256xf32> to vector<1x1x256xf32>
        %swap3A_609 = vector.shape_cast %add3A_602 : vector<1x1x256xf32> to vector<1x1x1x256xf32>
        tpu.vector_store %arg7[%swap3A_603, %swap3A_604, %swap3A_605, %swap3A_606], %swap3A_609 {strides = array<i32>} : memref<5x80x1x256xf32, #tpu.memory_space<vmem>>, vector<1x1x1x256xf32>,
        %get3A_610 = arith.constant 1 : index
        %get3A_611 = arith.index_cast %while3A_574 : i32 to index
        %get3A_612 = arith.constant 0 : index
        %get3A_613 = arith.constant 0 : index
        %get3A_614 = vector.load %arg7[%get3A_610, %get3A_611, %get3A_612, %get3A_613] : memref<5x80x1x256xf32, #tpu.memory_space<vmem>>, vector<1x1x1x256xf32>
        %get3A_615 = vector.shape_cast %get3A_614 : vector<1x1x1x256xf32> to vector<1x1x256xf32>
        %mul3A_616 = vector.broadcast %broadcast_in_dim3A_323 : vector<1024x1xf32> to vector<1024x256xf32>
        %mul3A_617 = arith.mulf %mul3A_589, %mul3A_616 : vector<1024x256xf32>
        %reduce_sum3A_618 = arith.constant dense<0.000000e+00> : vector<256xf32>
        %reduce_sum3A_619 = vector.multi_reduction <add>, %mul3A_617, %reduce_sum3A_618 [0] : vector<1024x256xf32> to vector<256xf32>
        %broadcast_in_dim3A_620 = vector.shape_cast %reduce_sum3A_619 : vector<256xf32> to vector<1x256xf32>
        %reshape3A_621 = vector.shape_cast %broadcast_in_dim3A_620 : vector<1x256xf32> to vector<1x1x256xf32>
        %add3A_622 = arith.addf %get3A_615, %reshape3A_621 : vector<1x1x256xf32>
        %swap3A_623 = arith.constant 1 : index
        %swap3A_624 = arith.index_cast %while3A_574 : i32 to index
        %swap3A_625 = arith.constant 0 : index
        %swap3A_626 = arith.constant 0 : index
        %swap3A_627 = vector.load %arg7[%swap3A_623, %swap3A_624, %swap3A_625, %swap3A_626] : memref<5x80x1x256xf32, #tpu.memory_space<vmem>>, vector<1x1x1x256xf32>
        %swap3A_628 = vector.shape_cast %swap3A_627 : vector<1x1x1x256xf32> to vector<1x1x256xf32>
        %swap3A_629 = vector.shape_cast %add3A_622 : vector<1x1x256xf32> to vector<1x1x1x256xf32>
        tpu.vector_store %arg7[%swap3A_623, %swap3A_624, %swap3A_625, %swap3A_626], %swap3A_629 {strides = array<i32>} : memref<5x80x1x256xf32, #tpu.memory_space<vmem>>, vector<1x1x1x256xf32>,
        %get3A_630 = arith.constant 2 : index
        %get3A_631 = arith.index_cast %while3A_574 : i32 to index
        %get3A_632 = arith.constant 0 : index
        %get3A_633 = arith.constant 0 : index
        %get3A_634 = vector.load %arg7[%get3A_630, %get3A_631, %get3A_632, %get3A_633] : memref<5x80x1x256xf32, #tpu.memory_space<vmem>>, vector<1x1x1x256xf32>
        %get3A_635 = vector.shape_cast %get3A_634 : vector<1x1x1x256xf32> to vector<1x1x256xf32>
        %mul3A_636 = vector.broadcast %broadcast_in_dim3A_333 : vector<1024x1xf32> to vector<1024x256xf32>
        %mul3A_637 = arith.mulf %mul3A_589, %mul3A_636 : vector<1024x256xf32>
        %reduce_sum3A_638 = arith.constant dense<0.000000e+00> : vector<256xf32>
        %reduce_sum3A_639 = vector.multi_reduction <add>, %mul3A_637, %reduce_sum3A_638 [0] : vector<1024x256xf32> to vector<256xf32>
        %broadcast_in_dim3A_640 = vector.shape_cast %reduce_sum3A_639 : vector<256xf32> to vector<1x256xf32>
        %reshape3A_641 = vector.shape_cast %broadcast_in_dim3A_640 : vector<1x256xf32> to vector<1x1x256xf32>
        %add3A_642 = arith.addf %get3A_635, %reshape3A_641 : vector<1x1x256xf32>
        %swap3A_643 = arith.constant 2 : index
        %swap3A_644 = arith.index_cast %while3A_574 : i32 to index
        %swap3A_645 = arith.constant 0 : index
        %swap3A_646 = arith.constant 0 : index
        %swap3A_647 = vector.load %arg7[%swap3A_643, %swap3A_644, %swap3A_645, %swap3A_646] : memref<5x80x1x256xf32, #tpu.memory_space<vmem>>, vector<1x1x1x256xf32>
        %swap3A_648 = vector.shape_cast %swap3A_647 : vector<1x1x1x256xf32> to vector<1x1x256xf32>
        %swap3A_649 = vector.shape_cast %add3A_642 : vector<1x1x256xf32> to vector<1x1x1x256xf32>
        tpu.vector_store %arg7[%swap3A_643, %swap3A_644, %swap3A_645, %swap3A_646], %swap3A_649 {strides = array<i32>} : memref<5x80x1x256xf32, #tpu.memory_space<vmem>>, vector<1x1x1x256xf32>,
        %get3A_650 = arith.constant 3 : index
        %get3A_651 = arith.index_cast %while3A_574 : i32 to index
        %get3A_652 = arith.constant 0 : index
        %get3A_653 = arith.constant 0 : index
        %get3A_654 = vector.load %arg7[%get3A_650, %get3A_651, %get3A_652, %get3A_653] : memref<5x80x1x256xf32, #tpu.memory_space<vmem>>, vector<1x1x1x256xf32>
        %get3A_655 = vector.shape_cast %get3A_654 : vector<1x1x1x256xf32> to vector<1x1x256xf32>
        %mul3A_656 = vector.broadcast %broadcast_in_dim3A_343 : vector<1024x1xf32> to vector<1024x256xf32>
        %mul3A_657 = arith.mulf %mul3A_589, %mul3A_656 : vector<1024x256xf32>
        %reduce_sum3A_658 = arith.constant dense<0.000000e+00> : vector<256xf32>
        %reduce_sum3A_659 = vector.multi_reduction <add>, %mul3A_657, %reduce_sum3A_658 [0] : vector<1024x256xf32> to vector<256xf32>
        %broadcast_in_dim3A_660 = vector.shape_cast %reduce_sum3A_659 : vector<256xf32> to vector<1x256xf32>
        %reshape3A_661 = vector.shape_cast %broadcast_in_dim3A_660 : vector<1x256xf32> to vector<1x1x256xf32>
        %add3A_662 = arith.addf %get3A_655, %reshape3A_661 : vector<1x1x256xf32>
        %swap3A_663 = arith.constant 3 : index
        %swap3A_664 = arith.index_cast %while3A_574 : i32 to index
        %swap3A_665 = arith.constant 0 : index
        %swap3A_666 = arith.constant 0 : index
        %swap3A_667 = vector.load %arg7[%swap3A_663, %swap3A_664, %swap3A_665, %swap3A_666] : memref<5x80x1x256xf32, #tpu.memory_space<vmem>>, vector<1x1x1x256xf32>
        %swap3A_668 = vector.shape_cast %swap3A_667 : vector<1x1x1x256xf32> to vector<1x1x256xf32>
        %swap3A_669 = vector.shape_cast %add3A_662 : vector<1x1x256xf32> to vector<1x1x1x256xf32>
        tpu.vector_store %arg7[%swap3A_663, %swap3A_664, %swap3A_665, %swap3A_666], %swap3A_669 {strides = array<i32>} : memref<5x80x1x256xf32, #tpu.memory_space<vmem>>, vector<1x1x1x256xf32>,
        %get3A_670 = arith.constant 4 : index
        %get3A_671 = arith.index_cast %while3A_574 : i32 to index
        %get3A_672 = arith.constant 0 : index
        %get3A_673 = arith.constant 0 : index
        %get3A_674 = vector.load %arg7[%get3A_670, %get3A_671, %get3A_672, %get3A_673] : memref<5x80x1x256xf32, #tpu.memory_space<vmem>>, vector<1x1x1x256xf32>
        %get3A_675 = vector.shape_cast %get3A_674 : vector<1x1x1x256xf32> to vector<1x1x256xf32>
        %mul3A_676 = vector.broadcast %broadcast_in_dim3A_353 : vector<1024x1xf32> to vector<1024x256xf32>
        %mul3A_677 = arith.mulf %mul3A_589, %mul3A_676 : vector<1024x256xf32>
        %reduce_sum3A_678 = arith.constant dense<0.000000e+00> : vector<256xf32>
        %reduce_sum3A_679 = vector.multi_reduction <add>, %mul3A_677, %reduce_sum3A_678 [0] : vector<1024x256xf32> to vector<256xf32>
        %broadcast_in_dim3A_680 = vector.shape_cast %reduce_sum3A_679 : vector<256xf32> to vector<1x256xf32>
        %reshape3A_681 = vector.shape_cast %broadcast_in_dim3A_680 : vector<1x256xf32> to vector<1x1x256xf32>
        %add3A_682 = arith.addf %get3A_675, %reshape3A_681 : vector<1x1x256xf32>
        %swap3A_683 = arith.constant 4 : index
        %swap3A_684 = arith.index_cast %while3A_574 : i32 to index
        %swap3A_685 = arith.constant 0 : index
        %swap3A_686 = arith.constant 0 : index
        %swap3A_687 = vector.load %arg7[%swap3A_683, %swap3A_684, %swap3A_685, %swap3A_686] : memref<5x80x1x256xf32, #tpu.memory_space<vmem>>, vector<1x1x1x256xf32>
        %swap3A_688 = vector.shape_cast %swap3A_687 : vector<1x1x1x256xf32> to vector<1x1x256xf32>
        %swap3A_689 = vector.shape_cast %add3A_682 : vector<1x1x256xf32> to vector<1x1x1x256xf32>
        tpu.vector_store %arg7[%swap3A_683, %swap3A_684, %swap3A_685, %swap3A_686], %swap3A_689 {strides = array<i32>} : memref<5x80x1x256xf32, #tpu.memory_space<vmem>>, vector<1x1x1x256xf32>,
        %while3A_690 = arith.constant 0 : i32
        scf.yield %while3A_690 : i32
      }
      %while3A_568 = arith.constant 1 : i32
      %while3A_569 = scf.for %while3A_574 = %while3A_565 to %while3A_561 step %while3A_568 iter_args(%while3A_575 = %while3A_567) -> (i32)  : i32 {
        %mul3A_576 = arith.constant 256 : i32
        %mul3A_577 = arith.muli %while3A_574, %mul3A_576 : i32
        %convert_element_type3A_578 = arith.sitofp %mul3A_577 : i32 to f32
        %add3A_579 = vector.broadcast %convert_element_type3A_578 : f32 to vector<1024x256xf32>
        %add3A_580 = arith.addf %convert_element_type3A_214, %add3A_579 : vector<1024x256xf32>
        %sub3A_581 = vector.broadcast %add3A_505 : vector<1024x1xf32> to vector<1024x256xf32>
        %sub3A_582 = arith.subf %sub3A_581, %add3A_580 : vector<1024x256xf32>
        %abs3A = math.absf %sub3A_582 : vector<1024x256xf32>
        %lt3A_583 = arith.constant 5.000000e-01 : f32
        %lt3A_584 = vector.broadcast %lt3A_583 : f32 to vector<1024x256xf32>
        %lt3A_585 = arith.cmpf olt, %abs3A, %lt3A_584 : vector<1024x256xf32>
        %convert_element_type3A_586 = arith.extui %lt3A_585 : vector<1024x256xi1> to vector<1024x256xi32>
        %convert_element_type3A_587 = arith.sitofp %convert_element_type3A_586 : vector<1024x256xi32> to vector<1024x256xf32>
        %mul3A_588 = vector.broadcast %convert_element_type3A_500 : vector<1024x1xf32> to vector<1024x256xf32>
        %mul3A_589 = arith.mulf %convert_element_type3A_587, %mul3A_588 : vector<1024x256xf32>
        %get3A_590 = arith.constant 0 : index
        %get3A_591 = arith.index_cast %while3A_574 : i32 to index
        %get3A_592 = arith.constant 0 : index
        %get3A_593 = arith.constant 0 : index
        %get3A_594 = vector.load %arg7[%get3A_590, %get3A_591, %get3A_592, %get3A_593] : memref<5x80x1x256xf32, #tpu.memory_space<vmem>>, vector<1x1x1x256xf32>
        %get3A_595 = vector.shape_cast %get3A_594 : vector<1x1x1x256xf32> to vector<1x1x256xf32>
        %mul3A_596 = vector.broadcast %broadcast_in_dim3A_313 : vector<1024x1xf32> to vector<1024x256xf32>
        %mul3A_597 = arith.mulf %mul3A_589, %mul3A_596 : vector<1024x256xf32>
        %reduce_sum3A_598 = arith.constant dense<0.000000e+00> : vector<256xf32>
        %reduce_sum3A_599 = vector.multi_reduction <add>, %mul3A_597, %reduce_sum3A_598 [0] : vector<1024x256xf32> to vector<256xf32>
        %broadcast_in_dim3A_600 = vector.shape_cast %reduce_sum3A_599 : vector<256xf32> to vector<1x256xf32>
        %reshape3A_601 = vector.shape_cast %broadcast_in_dim3A_600 : vector<1x256xf32> to vector<1x1x256xf32>
        %add3A_602 = arith.addf %get3A_595, %reshape3A_601 : vector<1x1x256xf32>
        %swap3A_603 = arith.constant 0 : index
        %swap3A_604 = arith.index_cast %while3A_574 : i32 to index
        %swap3A_605 = arith.constant 0 : index
        %swap3A_606 = arith.constant 0 : index
        %swap3A_607 = vector.load %arg7[%swap3A_603, %swap3A_604, %swap3A_605, %swap3A_606] : memref<5x80x1x256xf32, #tpu.memory_space<vmem>>, vector<1x1x1x256xf32>
        %swap3A_608 = vector.shape_cast %swap3A_607 : vector<1x1x1x256xf32> to vector<1x1x256xf32>
        %swap3A_609 = vector.shape_cast %add3A_602 : vector<1x1x256xf32> to vector<1x1x1x256xf32>
        tpu.vector_store %arg7[%swap3A_603, %swap3A_604, %swap3A_605, %swap3A_606], %swap3A_609 {strides = array<i32>} : memref<5x80x1x256xf32, #tpu.memory_space<vmem>>, vector<1x1x1x256xf32>,
        %get3A_610 = arith.constant 1 : index
        %get3A_611 = arith.index_cast %while3A_574 : i32 to index
        %get3A_612 = arith.constant 0 : index
        %get3A_613 = arith.constant 0 : index
        %get3A_614 = vector.load %arg7[%get3A_610, %get3A_611, %get3A_612, %get3A_613] : memref<5x80x1x256xf32, #tpu.memory_space<vmem>>, vector<1x1x1x256xf32>
        %get3A_615 = vector.shape_cast %get3A_614 : vector<1x1x1x256xf32> to vector<1x1x256xf32>
        %mul3A_616 = vector.broadcast %broadcast_in_dim3A_323 : vector<1024x1xf32> to vector<1024x256xf32>
        %mul3A_617 = arith.mulf %mul3A_589, %mul3A_616 : vector<1024x256xf32>
        %reduce_sum3A_618 = arith.constant dense<0.000000e+00> : vector<256xf32>
        %reduce_sum3A_619 = vector.multi_reduction <add>, %mul3A_617, %reduce_sum3A_618 [0] : vector<1024x256xf32> to vector<256xf32>
        %broadcast_in_dim3A_620 = vector.shape_cast %reduce_sum3A_619 : vector<256xf32> to vector<1x256xf32>
        %reshape3A_621 = vector.shape_cast %broadcast_in_dim3A_620 : vector<1x256xf32> to vector<1x1x256xf32>
        %add3A_622 = arith.addf %get3A_615, %reshape3A_621 : vector<1x1x256xf32>
        %swap3A_623 = arith.constant 1 : index
        %swap3A_624 = arith.index_cast %while3A_574 : i32 to index
        %swap3A_625 = arith.constant 0 : index
        %swap3A_626 = arith.constant 0 : index
        %swap3A_627 = vector.load %arg7[%swap3A_623, %swap3A_624, %swap3A_625, %swap3A_626] : memref<5x80x1x256xf32, #tpu.memory_space<vmem>>, vector<1x1x1x256xf32>
        %swap3A_628 = vector.shape_cast %swap3A_627 : vector<1x1x1x256xf32> to vector<1x1x256xf32>
        %swap3A_629 = vector.shape_cast %add3A_622 : vector<1x1x256xf32> to vector<1x1x1x256xf32>
        tpu.vector_store %arg7[%swap3A_623, %swap3A_624, %swap3A_625, %swap3A_626], %swap3A_629 {strides = array<i32>} : memref<5x80x1x256xf32, #tpu.memory_space<vmem>>, vector<1x1x1x256xf32>,
        %get3A_630 = arith.constant 2 : index
        %get3A_631 = arith.index_cast %while3A_574 : i32 to index
        %get3A_632 = arith.constant 0 : index
        %get3A_633 = arith.constant 0 : index
        %get3A_634 = vector.load %arg7[%get3A_630, %get3A_631, %get3A_632, %get3A_633] : memref<5x80x1x256xf32, #tpu.memory_space<vmem>>, vector<1x1x1x256xf32>
        %get3A_635 = vector.shape_cast %get3A_634 : vector<1x1x1x256xf32> to vector<1x1x256xf32>
        %mul3A_636 = vector.broadcast %broadcast_in_dim3A_333 : vector<1024x1xf32> to vector<1024x256xf32>
        %mul3A_637 = arith.mulf %mul3A_589, %mul3A_636 : vector<1024x256xf32>
        %reduce_sum3A_638 = arith.constant dense<0.000000e+00> : vector<256xf32>
        %reduce_sum3A_639 = vector.multi_reduction <add>, %mul3A_637, %reduce_sum3A_638 [0] : vector<1024x256xf32> to vector<256xf32>
        %broadcast_in_dim3A_640 = vector.shape_cast %reduce_sum3A_639 : vector<256xf32> to vector<1x256xf32>
        %reshape3A_641 = vector.shape_cast %broadcast_in_dim3A_640 : vector<1x256xf32> to vector<1x1x256xf32>
        %add3A_642 = arith.addf %get3A_635, %reshape3A_641 : vector<1x1x256xf32>
        %swap3A_643 = arith.constant 2 : index
        %swap3A_644 = arith.index_cast %while3A_574 : i32 to index
        %swap3A_645 = arith.constant 0 : index
        %swap3A_646 = arith.constant 0 : index
        %swap3A_647 = vector.load %arg7[%swap3A_643, %swap3A_644, %swap3A_645, %swap3A_646] : memref<5x80x1x256xf32, #tpu.memory_space<vmem>>, vector<1x1x1x256xf32>
        %swap3A_648 = vector.shape_cast %swap3A_647 : vector<1x1x1x256xf32> to vector<1x1x256xf32>
        %swap3A_649 = vector.shape_cast %add3A_642 : vector<1x1x256xf32> to vector<1x1x1x256xf32>
        tpu.vector_store %arg7[%swap3A_643, %swap3A_644, %swap3A_645, %swap3A_646], %swap3A_649 {strides = array<i32>} : memref<5x80x1x256xf32, #tpu.memory_space<vmem>>, vector<1x1x1x256xf32>,
        %get3A_650 = arith.constant 3 : index
        %get3A_651 = arith.index_cast %while3A_574 : i32 to index
        %get3A_652 = arith.constant 0 : index
        %get3A_653 = arith.constant 0 : index
        %get3A_654 = vector.load %arg7[%get3A_650, %get3A_651, %get3A_652, %get3A_653] : memref<5x80x1x256xf32, #tpu.memory_space<vmem>>, vector<1x1x1x256xf32>
        %get3A_655 = vector.shape_cast %get3A_654 : vector<1x1x1x256xf32> to vector<1x1x256xf32>
        %mul3A_656 = vector.broadcast %broadcast_in_dim3A_343 : vector<1024x1xf32> to vector<1024x256xf32>
        %mul3A_657 = arith.mulf %mul3A_589, %mul3A_656 : vector<1024x256xf32>
        %reduce_sum3A_658 = arith.constant dense<0.000000e+00> : vector<256xf32>
        %reduce_sum3A_659 = vector.multi_reduction <add>, %mul3A_657, %reduce_sum3A_658 [0] : vector<1024x256xf32> to vector<256xf32>
        %broadcast_in_dim3A_660 = vector.shape_cast %reduce_sum3A_659 : vector<256xf32> to vector<1x256xf32>
        %reshape3A_661 = vector.shape_cast %broadcast_in_dim3A_660 : vector<1x256xf32> to vector<1x1x256xf32>
        %add3A_662 = arith.addf %get3A_655, %reshape3A_661 : vector<1x1x256xf32>
        %swap3A_663 = arith.constant 3 : index
        %swap3A_664 = arith.index_cast %while3A_574 : i32 to index
        %swap3A_665 = arith.constant 0 : index
        %swap3A_666 = arith.constant 0 : index
        %swap3A_667 = vector.load %arg7[%swap3A_663, %swap3A_664, %swap3A_665, %swap3A_666] : memref<5x80x1x256xf32, #tpu.memory_space<vmem>>, vector<1x1x1x256xf32>
        %swap3A_668 = vector.shape_cast %swap3A_667 : vector<1x1x1x256xf32> to vector<1x1x256xf32>
        %swap3A_669 = vector.shape_cast %add3A_662 : vector<1x1x256xf32> to vector<1x1x1x256xf32>
        tpu.vector_store %arg7[%swap3A_663, %swap3A_664, %swap3A_665, %swap3A_666], %swap3A_669 {strides = array<i32>} : memref<5x80x1x256xf32, #tpu.memory_space<vmem>>, vector<1x1x1x256xf32>,
        %get3A_670 = arith.constant 4 : index
        %get3A_671 = arith.index_cast %while3A_574 : i32 to index
        %get3A_672 = arith.constant 0 : index
        %get3A_673 = arith.constant 0 : index
        %get3A_674 = vector.load %arg7[%get3A_670, %get3A_671, %get3A_672, %get3A_673] : memref<5x80x1x256xf32, #tpu.memory_space<vmem>>, vector<1x1x1x256xf32>
        %get3A_675 = vector.shape_cast %get3A_674 : vector<1x1x1x256xf32> to vector<1x1x256xf32>
        %mul3A_676 = vector.broadcast %broadcast_in_dim3A_353 : vector<1024x1xf32> to vector<1024x256xf32>
        %mul3A_677 = arith.mulf %mul3A_589, %mul3A_676 : vector<1024x256xf32>
        %reduce_sum3A_678 = arith.constant dense<0.000000e+00> : vector<256xf32>
        %reduce_sum3A_679 = vector.multi_reduction <add>, %mul3A_677, %reduce_sum3A_678 [0] : vector<1024x256xf32> to vector<256xf32>
        %broadcast_in_dim3A_680 = vector.shape_cast %reduce_sum3A_679 : vector<256xf32> to vector<1x256xf32>
        %reshape3A_681 = vector.shape_cast %broadcast_in_dim3A_680 : vector<1x256xf32> to vector<1x1x256xf32>
        %add3A_682 = arith.addf %get3A_675, %reshape3A_681 : vector<1x1x256xf32>
        %swap3A_683 = arith.constant 4 : index
        %swap3A_684 = arith.index_cast %while3A_574 : i32 to index
        %swap3A_685 = arith.constant 0 : index
        %swap3A_686 = arith.constant 0 : index
        %swap3A_687 = vector.load %arg7[%swap3A_683, %swap3A_684, %swap3A_685, %swap3A_686] : memref<5x80x1x256xf32, #tpu.memory_space<vmem>>, vector<1x1x1x256xf32>
        %swap3A_688 = vector.shape_cast %swap3A_687 : vector<1x1x1x256xf32> to vector<1x1x256xf32>
        %swap3A_689 = vector.shape_cast %add3A_682 : vector<1x1x256xf32> to vector<1x1x1x256xf32>
        tpu.vector_store %arg7[%swap3A_683, %swap3A_684, %swap3A_685, %swap3A_686], %swap3A_689 {strides = array<i32>} : memref<5x80x1x256xf32, #tpu.memory_space<vmem>>, vector<1x1x1x256xf32>,
        %while3A_690 = arith.constant 0 : i32
        scf.yield %while3A_690 : i32
      }
      %add3A_570 = arith.addi %get3A_355, %convert_element_type3A_493 : i32
      %swap3A_571 = arith.constant 0 : index
      %swap3A_572 = memref.load %arg8[%swap3A_571] : memref<1xi32, #tpu.memory_space<smem>>
      memref.store %add3A_570, %arg8[%swap3A_571] : memref<1xi32, #tpu.memory_space<smem>>
      %while3A_573 = arith.constant 0 : i32
      scf.yield %while3A_573 : i32
    }
    %get3A_227 = arith.constant 0 : index
    %get3A_228 = arith.constant 0 : index
    %get3A_229 = arith.constant 0 : index
    %get3A_230 = vector.load %arg6[%get3A_227, %get3A_228, %get3A_229] : memref<20x1x1024xf32, #tpu.memory_space<vmem>>, vector<20x1x1024xf32>
    %sub3A_231 = arith.constant 1.000000e+00 : f32
    %sub3A_232 = vector.broadcast %sub3A_231 : f32 to vector<20x1x1024xf32>
    %sub3A_233 = arith.subf %sub3A_232, %get3A_230 : vector<20x1x1024xf32>
    %get3A_234 = arith.constant 0 : index
    %get3A_235 = arith.constant 0 : index
    %get3A_236 = arith.constant 0 : index
    %get3A_237 = arith.constant 0 : index
    %get3A_238 = vector.load %arg4[%get3A_234, %get3A_235, %get3A_236, %get3A_237] : memref<5x20x1x1024xf32, #tpu.memory_space<vmem>>, vector<1x20x1x1024xf32>
    %get3A_239 = vector.shape_cast %get3A_238 : vector<1x20x1x1024xf32> to vector<20x1x1024xf32>
    %mul3A_240 = arith.mulf %get3A_239, %sub3A_233 : vector<20x1x1024xf32>
    %swap3A_241 = arith.constant 0 : index
    %swap3A_242 = arith.constant 0 : index
    %swap3A_243 = arith.constant 0 : index
    %swap3A_244 = arith.constant 0 : index
    %swap3A_245 = vector.load %arg3[%swap3A_241, %swap3A_242, %swap3A_243, %swap3A_244] : memref<5x20x1x1024xf32, #tpu.memory_space<vmem>>, vector<1x20x1x1024xf32>
    %swap3A_246 = vector.shape_cast %swap3A_245 : vector<1x20x1x1024xf32> to vector<20x1x1024xf32>
    %swap3A_247 = vector.shape_cast %mul3A_240 : vector<20x1x1024xf32> to vector<1x20x1x1024xf32>
    tpu.vector_store %arg3[%swap3A_241, %swap3A_242, %swap3A_243, %swap3A_244], %swap3A_247 {strides = array<i32>} : memref<5x20x1x1024xf32, #tpu.memory_space<vmem>>, vector<1x20x1x1024xf32>,
    %get3A_248 = arith.constant 1 : index
    %get3A_249 = arith.constant 0 : index
    %get3A_250 = arith.constant 0 : index
    %get3A_251 = arith.constant 0 : index
    %get3A_252 = vector.load %arg4[%get3A_248, %get3A_249, %get3A_250, %get3A_251] : memref<5x20x1x1024xf32, #tpu.memory_space<vmem>>, vector<1x20x1x1024xf32>
    %get3A_253 = vector.shape_cast %get3A_252 : vector<1x20x1x1024xf32> to vector<20x1x1024xf32>
    %mul3A_254 = arith.mulf %get3A_253, %sub3A_233 : vector<20x1x1024xf32>
    %swap3A_255 = arith.constant 1 : index
    %swap3A_256 = arith.constant 0 : index
    %swap3A_257 = arith.constant 0 : index
    %swap3A_258 = arith.constant 0 : index
    %swap3A_259 = vector.load %arg3[%swap3A_255, %swap3A_256, %swap3A_257, %swap3A_258] : memref<5x20x1x1024xf32, #tpu.memory_space<vmem>>, vector<1x20x1x1024xf32>
    %swap3A_260 = vector.shape_cast %swap3A_259 : vector<1x20x1x1024xf32> to vector<20x1x1024xf32>
    %swap3A_261 = vector.shape_cast %mul3A_254 : vector<20x1x1024xf32> to vector<1x20x1x1024xf32>
    tpu.vector_store %arg3[%swap3A_255, %swap3A_256, %swap3A_257, %swap3A_258], %swap3A_261 {strides = array<i32>} : memref<5x20x1x1024xf32, #tpu.memory_space<vmem>>, vector<1x20x1x1024xf32>,
    %get3A_262 = arith.constant 2 : index
    %get3A_263 = arith.constant 0 : index
    %get3A_264 = arith.constant 0 : index
    %get3A_265 = arith.constant 0 : index
    %get3A_266 = vector.load %arg4[%get3A_262, %get3A_263, %get3A_264, %get3A_265] : memref<5x20x1x1024xf32, #tpu.memory_space<vmem>>, vector<1x20x1x1024xf32>
    %get3A_267 = vector.shape_cast %get3A_266 : vector<1x20x1x1024xf32> to vector<20x1x1024xf32>
    %mul3A_268 = arith.mulf %get3A_267, %sub3A_233 : vector<20x1x1024xf32>
    %swap3A_269 = arith.constant 2 : index
    %swap3A_270 = arith.constant 0 : index
    %swap3A_271 = arith.constant 0 : index
    %swap3A_272 = arith.constant 0 : index
    %swap3A_273 = vector.load %arg3[%swap3A_269, %swap3A_270, %swap3A_271, %swap3A_272] : memref<5x20x1x1024xf32, #tpu.memory_space<vmem>>, vector<1x20x1x1024xf32>
    %swap3A_274 = vector.shape_cast %swap3A_273 : vector<1x20x1x1024xf32> to vector<20x1x1024xf32>
    %swap3A_275 = vector.shape_cast %mul3A_268 : vector<20x1x1024xf32> to vector<1x20x1x1024xf32>
    tpu.vector_store %arg3[%swap3A_269, %swap3A_270, %swap3A_271, %swap3A_272], %swap3A_275 {strides = array<i32>} : memref<5x20x1x1024xf32, #tpu.memory_space<vmem>>, vector<1x20x1x1024xf32>,
    %get3A_276 = arith.constant 3 : index
    %get3A_277 = arith.constant 0 : index
    %get3A_278 = arith.constant 0 : index
    %get3A_279 = arith.constant 0 : index
    %get3A_280 = vector.load %arg4[%get3A_276, %get3A_277, %get3A_278, %get3A_279] : memref<5x20x1x1024xf32, #tpu.memory_space<vmem>>, vector<1x20x1x1024xf32>
    %get3A_281 = vector.shape_cast %get3A_280 : vector<1x20x1x1024xf32> to vector<20x1x1024xf32>
    %mul3A_282 = arith.mulf %get3A_281, %sub3A_233 : vector<20x1x1024xf32>
    %swap3A_283 = arith.constant 3 : index
    %swap3A_284 = arith.constant 0 : index
    %swap3A_285 = arith.constant 0 : index
    %swap3A_286 = arith.constant 0 : index
    %swap3A_287 = vector.load %arg3[%swap3A_283, %swap3A_284, %swap3A_285, %swap3A_286] : memref<5x20x1x1024xf32, #tpu.memory_space<vmem>>, vector<1x20x1x1024xf32>
    %swap3A_288 = vector.shape_cast %swap3A_287 : vector<1x20x1x1024xf32> to vector<20x1x1024xf32>
    %swap3A_289 = vector.shape_cast %mul3A_282 : vector<20x1x1024xf32> to vector<1x20x1x1024xf32>
    tpu.vector_store %arg3[%swap3A_283, %swap3A_284, %swap3A_285, %swap3A_286], %swap3A_289 {strides = array<i32>} : memref<5x20x1x1024xf32, #tpu.memory_space<vmem>>, vector<1x20x1x1024xf32>,
    %mul3A_290 = arith.mulf %get3A_40, %sub3A_233 : vector<20x1x1024xf32>
    %swap3A_291 = arith.constant 4 : index
    %swap3A_292 = arith.constant 0 : index
    %swap3A_293 = arith.constant 0 : index
    %swap3A_294 = arith.constant 0 : index
    %swap3A_295 = vector.load %arg3[%swap3A_291, %swap3A_292, %swap3A_293, %swap3A_294] : memref<5x20x1x1024xf32, #tpu.memory_space<vmem>>, vector<1x20x1x1024xf32>
    %swap3A_296 = vector.shape_cast %swap3A_295 : vector<1x20x1x1024xf32> to vector<20x1x1024xf32>
    %swap3A_297 = vector.shape_cast %mul3A_290 : vector<20x1x1024xf32> to vector<1x20x1x1024xf32>
    tpu.vector_store %arg3[%swap3A_291, %swap3A_292, %swap3A_293, %swap3A_294], %swap3A_297 {strides = array<i32>} : memref<5x20x1x1024xf32, #tpu.memory_space<vmem>>, vector<1x20x1x1024xf32>,
    return
  }
}

</mosaic_0001>

<sc_bundles>
// kernel: kernel.4.cloned.1.call-start
scs
__scs_entry_jumppad:
0x0: {  	(pc) =	sbr.rel $0x88, $3  }
0x1: {  	(tag) =	ssettag $0x0;
	lr =	simm.s32 $0x1  }
0x2: {  	[smem:$0x3F9E] =	sst lr;
	_ =	strace $0xD0000000  }
0x3: {  	_ = 	snop  }
0x4: {  	_ = 	snop  }
0x5: {  	_ = 	snop  }
0x6: {  	_ = 	snop  }
0x7: {  	_ = 	snop  }
__scs_overlays_trampoline_lowered:
0x8: {  	[smem:$0x3FAD] =	sst s0  }
0x9: {  	[smem:$0x3FAE] =	sst s1  }
0xa: {  	[smem:$0x3FAF] =	sst s2  }
0xb: {  	[smem:$0x3FB0] =	sst s3  }
0xc: {  	[smem:$0x3FB1] =	sst s4  }
0xd: {  	[smem:$0x3FB2] =	sst s5  }
0xe: {  	[smem:$0x3FB3] =	sst s6  }
0xf: {  	[smem:$0x3FB4] =	sst s7  }
0x10: {  	[smem:$0x3FB5] =	sst s8  }
0x11: {  	[smem:$0x3FB6] =	sst s9;
	s0 =	simm.s32 @!p0 $0x0  }
0x12: {  	s1 =	sld [smem:$0x3F9C];
	s0 =	simm.s32 @p0 $0x1  }
0x13: {  	[smem:$0x3FB7] =	sst s0;
	s0 =	simm.s32 @!p1 $0x0  }
0x14: {  	s2 =	sld [smem:$0x3F9B];
	s0 =	simm.s32 @p1 $0x1  }
0x15: {  	[smem:$0x3FB8] =	sst s0;
	s0 =	simm.s32 @!p2 $0x0  }
0x16: {  	s3 =	sld [smem:$0x3FDB];
	s0 =	simm.s32 @p2 $0x1  }
0x17: {  	s4 =	simm.s32 $0x1BF5;
	[smem:$0x3FBA] =	sst s0  }
0x18: {  	s0 =	sld [smem:$0x3F9D];
	_ =	swait.ge [sflag:s4], $0x0  }
0x19: {  	s7 =	sld [smem:$0x3F9E]  }
0x1a: {  	s8 =	sadd.s32 $0xFFFFE003, lr  }
0x1b: {  	s9 =	sadd.s32 $0xFFFFFEF7, lr;
	s5 =	simm.s32 $0xFFFFFFFF;
	p2 =	slt.u32 s8, $0xFFFFF086  }
0x1c: {  	p1 =	slt.u32 s9, $0xF7A;
	s5 =	simm.s32 @!p2 $0x0  }
0x1d: {  	s5 =	simm.s32 @p1 $0x1;
	p0 =	seq.s32 s7, s2  }
0x1e: {  	s7 =	smul.u32 @!p0 $0xF7A, s2;
	p2 =	seq.s32 @!p0 s5, $0x0  }
0x1f: {  	s9 =	smul.u32 $0xF7A, s1;
	s8 =	simm.s32 @!p0 $0x1BF5;
	p2 =	por !p2, p0  }
0x20: {  	[sflag:s8] =	ssyncset.s32 @!p0 $0xFFFFF086;
	s6 =	sadd.s32 @!p0 s3, s7;
	s7 =	simm.s32 @!p0 $0x108  }
0x21: {  	s3 =	sadd.s32 s3, s9;
	s6 =	sadd.s32 @!p0 $0x88, s6;
	s7 =	simm.s32 @p2 $0x1082  }
0x22: {  	[simem:s7], [sflag:s8] =	dma.local @!p0 [hbm:s6], $0xF7A  }
0x23: {  	s9 =	sor.u32 $0xD0000000, s2;
	s6 =	simm.s32 $0x108;
	_ =	swait.ge @!p0 [sflag:s8], $0x0  }
0x24: {  	s3 =	sadd.s32 $0x88, s3;
	s6 =	simm.s32 @!p1 $0x1082;
	[sflag:s4] =	ssyncset.s32 $0xFFFFF086  }
0x25: {  	[simem:s6], [sflag:s4] =	dma.local [hbm:s3], $0xF7A  }
0x26: {  	[smem:$0x3F9E] =	sst s1;
	(tag) =	ssettag s2;
	_ =	strace s9  }
0x27: {  	s1 =	sld [smem:$0x3FAE]  }
0x28: {  	s2 =	sld [smem:$0x3FAF]  }
0x29: {  	s4 =	sld [smem:$0x3FB1]  }
0x2a: {  	p0 =	seq.s32 s5, $0x0;
	s5 =	sld [smem:$0x3FB2]  }
0x2b: {  	s6 =	sld [smem:$0x3FB3]  }
0x2c: {  	s7 =	sld [smem:$0x3FB4]  }
0x2d: {  	s3 =	simm.s32 $0x108;
	s8 =	sld [smem:$0x3FB5]  }
0x2e: {  	s3 =	simm.s32 @!p0 $0x1082;
	s9 =	sld [smem:$0x3FB6]  }
0x2f: {  	lr =	sadd.s32 s0, s3;
	s0 =	sld [smem:$0x3FAD]  }
0x30: {  	s3 =	sld [smem:$0x3FB0]  }
0x31: {  	[smem:$0x3FB9] =	sst s10  }
0x32: {  	s10 =	sld [smem:$0x3FB7];
	_ =	sdelay $0x3  }
0x33: {  	p0 =	seq.s32 s10, $0x1;
	s10 =	sld [smem:$0x3FB9];
	_ =	sdelay $0x3  }
0x34: {  	[smem:$0x3FB9] =	sst s10  }
0x35: {  	s10 =	sld [smem:$0x3FB8];
	_ =	sdelay $0x3  }
0x36: {  	p1 =	seq.s32 s10, $0x1;
	s10 =	sld [smem:$0x3FB9];
	_ =	sdelay $0x3  }
0x37: {  	[smem:$0x3FB9] =	sst s10  }
0x38: {  	s10 =	sld [smem:$0x3FBA]  }
0x39: {  	_ = 	snop;
	(pc) =	sbr.ind lr, $3  }
0x3a: {  	_ = 	snop  }
0x3b: {  	_ = 	snop  }
0x3c: {  	p2 =	seq.s32 s10, $0x1;
	s10 =	sld [smem:$0x3FB9]  }
0x3d: {  	_ =	shalt  }
0x3e: {  	_ =	shalt  }
0x3f: {  	_ =	shalt  }
0x40: {  	_ =	shalt  }
0x41: {  	_ =	shalt  }
0x42: {  	_ =	shalt  }
0x43: {  	_ =	shalt  }
0x44: {  	_ =	shalt  }
0x45: {  	_ =	shalt  }
0x46: {  	_ =	shalt  }
0x47: {  	_ =	shalt  }
0x48: {  	_ =	shalt  }
0x49: {  	_ =	shalt  }
0x4a: {  	_ =	shalt  }
0x4b: {  	_ =	shalt  }
0x4c: {  	_ =	shalt  }
0x4d: {  	_ =	shalt  }
0x4e: {  	_ =	shalt  }
0x4f: {  	_ =	shalt  }
0x50: {  	_ =	shalt  }
0x51: {  	_ =	shalt  }
0x52: {  	_ =	shalt  }
0x53: {  	_ =	shalt  }
0x54: {  	_ =	shalt  }
0x55: {  	_ =	shalt  }
0x56: {  	_ =	shalt  }
0x57: {  	_ =	shalt  }
0x58: {  	_ =	shalt  }
0x59: {  	_ =	shalt  }
0x5a: {  	_ =	shalt  }
0x5b: {  	_ =	shalt  }
0x5c: {  	_ =	shalt  }
0x5d: {  	_ =	shalt  }
0x5e: {  	_ =	shalt  }
0x5f: {  	_ =	shalt  }
0x60: {  	_ =	shalt  }
0x61: {  	_ =	shalt  }
0x62: {  	_ =	shalt  }
0x63: {  	_ =	shalt  }
0x64: {  	_ =	shalt  }
0x65: {  	_ =	shalt  }
0x66: {  	_ =	shalt  }
0x67: {  	_ =	shalt  }
0x68: {  	_ =	shalt  }
0x69: {  	_ =	shalt  }
0x6a: {  	_ =	shalt  }
0x6b: {  	_ =	shalt  }
0x6c: {  	_ =	shalt  }
0x6d: {  	_ =	shalt  }
0x6e: {  	_ =	shalt  }
0x6f: {  	_ =	shalt  }
0x70: {  	_ =	shalt  }
0x71: {  	_ =	shalt  }
0x72: {  	_ =	shalt  }
0x73: {  	_ =	shalt  }
0x74: {  	_ =	shalt  }
0x75: {  	_ =	shalt  }
0x76: {  	_ =	shalt  }
0x77: {  	_ =	shalt  }
0x78: {  	_ =	shalt  }
0x79: {  	_ =	shalt  }
0x7a: {  	_ =	shalt  }
0x7b: {  	_ =	shalt  }
0x7c: {  	_ =	shalt  }
0x7d: {  	_ =	shalt  }
0x7e: {  	_ =	shalt  }
0x7f: {  	_ =	shalt  }
0x80: {  	_ =	shalt  }
0x81: {  	_ =	shalt  }
0x82: {  	_ =	shalt  }
0x83: {  	_ =	shalt  }
0x84: {  	_ =	shalt  }
0x85: {  	_ =	shalt  }
0x86: {  	_ =	shalt  }
0x87: {  	_ =	shalt  }
.Lfunc_end0:
.L_simem_size_0:
called_computation_lowered:
.L_overlay_start_0:
0x88: {  	s2 =	sld [smem:$0x3FD9]  }
0x89: {  	s3 =	sld [smem:$0x3FFE];
	_ =	sdelay $0x1  }
0x8a: {  	s1 =	srdreg.scid  }
0x8b: {  	s0 =	sand.u32 $0x1, s1  }
0x8c: {  	s17 =	sshll.u32 s0, $0xA;
	s2 =	sadd.s32 s3, s2  }
0x8d: {  	s2 =	sadd.s32 s2, s17  }
0x8e: {  	[smem:$0x3FC5] =	sst s2  }
0x8f: {  	_ = 	snop  }
0x90: {  	s2 =	sld [smem:$0x3FD0];
	(tm) =	ssettm $0x1  }
0x91: {  	s18 =	sld [smem:$0x3FFB];
	_ =	sdelay $0x3  }
0x92: {  	_ =	strace s18  }
0x93: {  	s3 =	sld [smem:$0x3FFC];
	_ =	sdelay $0x3  }
0x94: {  	_ =	strace s3  }
0x95: {  	s3 =	sld [smem:$0x3FFD];
	_ =	sdelay $0x3  }
0x96: {  	_ =	strace s3  }
0x97: {  	_ =	strace $0x8FFFFFFF  }
0x98: {  	s19 =	sld [smem:$0x3FDB];
	_ =	sdelay $0x1  }
0x99: {  	s4 =	simm.s32 $_scs_section_size  }
0x9a: {  	s5 =	simm.s32 $_size__tile_overlayer_lowered;
	s6 =	simm.s32 $_tile_overlayer_lowered  }
0x9b: {  	s22 =	simm.s32 $0x1BFF;
	s21 =	sshll.u32 s6, $0x1;
	s3 =	sadd.s32 s4, s19  }
0x9c: {  	s7 =	simm.s32 $0x0;
	s20 =	sshll.u32 s5, $0x1;
	s5 =	sadd.s32 s21, s3  }
0x9d: {  	[timem:s7], [sflag:s22] =	dma.local [hbm:s5], s20  }
0x9e: {  	_ =	swait.ge [sflag:s22], s20  }
0x9f: {  	s4 =	ssub.s32 $0x0, s20;
	[sflag:s22] =	ssyncset.done $0x0  }
0xa0: {  	[sflag:s22] =	ssyncadd.s32 s4;
	_ =	sdelay $0x1  }
0xa1: {  	s23 =	simm.s32 $0x1B8B  }
0xa2: {  	_ =	swait.ge [sflag:s23], $0x1  }
0xa3: {  	[sflag:s23] =	ssyncset.done $0x0  }
0xa4: {  	s25 =	simm.s32 $0x1B8E;
	s24 =	sld [smem:$0x3FFE];
	[sflag:s23] =	ssyncadd.s32 $0xFFFFFFFF  }
0xa5: {  	s26 =	simm.s32 $execute0_lowered;
	[smem:$0x3FD2] =	sst s25  }
0xa6: {  	s5 =	sshll.u32 s26, $0x1;
	_ =	strace $0x80000046;
	[dreg:$0x1] =	wrdreg $0xFFFFFFFF  }
0xa7: {  	s28 =	simm.s32 $_size_execute0_lowered;
	s3 =	sadd.s32 s3, s5;
	[dreg:$0x0] =	wrdreg $0x0  }
0xa8: {  	s5 =	sshll.u32 s28, $0x1;
	[dreg:$0x2] =	wrdreg s3  }
0xa9: {  	[dreg:$0x3] =	wrdreg s5  }
0xaa: {  	[dreg:$0x4] =	wrdreg $0xC0  }
0xab: {  	_ =	task [dreg:s7], $0x5FFFF  }
0xac: {  	[dreg:$0x1] =	wrdreg $0xFFFFFFFF  }
0xad: {  	[dreg:$0x0] =	wrdreg $0x60  }
0xae: {  	[dreg:$0x2] =	wrdreg s24  }
0xaf: {  	[dreg:$0x3] =	wrdreg s2  }
0xb0: {  	[dreg:$0x4] =	wrdreg $0x9  }
0xb1: {  	_ =	task.clear_ibuf [dreg:s7], $0x5FFFF;
	_ =	strace $0x90000046  }
0xb2: {  	s29 =	simm.s32 $0x9;
	_ =	strace $0x80000048  }
0xb3: {  	_ =	swait.ge [sflag:s29], $0x1  }
0xb4: {  	[sflag:s29] =	ssyncadd.s32 $0xFFFFFFFF  }
0xb5: {  	_ =	strace $0x90000048  }
0xb6: {  	_ =	sfence  }
0xb7: {  	s30 =	sld [smem:$0x0];
	_ =	sdelay $0x2  }
0xb8: {  	s31 =	sshll.u32 s1, $0xD;
	s1 =	sshrl.u32 s1, $0x2  }
0xb9: {  	s3 =	sand.u32 $0x4000, s31;
	s1 =	sadd.s32 s1, s30  }
0xba: {  	s0 =	sor.u32 s3, s0;
	s1 =	sshll.u32 s1, $0x11  }
0xbb: {  	s0 =	sor.u32 s1, s0  }
0xbc: {  	s0 =	sadd.s32 $0x8F2B, s0  }
0xbd: {  	[sflag:s0] =	ssyncadd.remote.s32 $0x1  }
0xbe: {  	_ =	sfence.sel $0xFFFF  }
0xbf: {  	[dreg:$0x0] =	wrdreg $0xFFFFFFFF;
	(pc) =	sbr.abs _section_cstart, $3  }
0xc0: {  	[dreg:$0x1] =	wrdreg $0xFFFFFFFF  }
0xc1: {  	_ =	task.clear_ibuf [dreg:s7], $0x2FFFF;
	_ =	strace $0x9FFFFFFF  }
0xc2: {  	(tm) =	ssettm $0x7FFFFFFF  }
0xc3: {  	_ =	shalt  }
tec
execute0_lowered:
.L_overlay_start_1:
0x0: {  	(tag) =	ssettag $0x1  }
0x1: {  	s1 =	srdreg.scid;
	s0 =	stileid.u32  }
0x2: {  	s2 =	rddreg [dreg:$0x0];
	s6 =	sand.u32 $0x1, s1;
	s31 =	sshll.u32 s0, $0x1  }
0x3: {  	s4 =	rddreg [dreg:$0x1];
	s3 =	simm.s32 $0x0;
	s7 =	sor.u32 s6, s31  }
0x4: {  	[smem:$0x7FF] =	sst s3;
	s5 =	smul.u32 $0x4F, s7  }
0x5: {  	s8 =	simm.s32 $0x1;
	s1 =	rddreg [dreg:$0x2];
	_ =	strace $0x80000047  }
0x6: {  	s10 =	ssub.s32 $0x2, s6;
	s5 =	sadd.s32 s4, s5;
	s4 =	simm.s32 $0x2  }
0x7: {  	[tilespmem:s3], [sflag:$0x2] =	stream.linear.gather [hbm4b:s5+s3], $0x278, $0x38;
	[tilespmem:$0x13E80] =	vst v63  }
0x8: {  	s6 =	simm.s32 $0x278;
	s11 =	sshrl.u32 s10, $0x1;
	_ =	swait.ge [sflag:s4], $0x278  }
0x9: {  	s9 =	smul.u32 $0x2780, s7;
	s10 =	ssub.s32 s10, s11;
	[sflag:s4] =	ssyncset.done $0x0  }
0xa: {  	s7 =	simm.s32 $0x280;
	s10 =	smax.u32 s10, $0x1;
	[sflag:s4] =	ssyncadd.s32 $0xFFFFFD88  }
0xb: {  	[tilespmem:s7], [sflag:$0x1] =	stream.indirect.gather [hbm4b:s2+s6], $0x80, s3, s6, $0xb8;
	[tilespmem:$0x13E80] =	vst v63  }
0xc: {  	p0 =	sne.s32 s10, $0x1;
	_ =	swait.ge [sflag:s8], $0x13C00  }
.Ltmp0:
0xd: {  	s9 =	sadd.s32 s9, s2;
	[sflag:s8] =	ssyncset.done $0x0;
	(pc) =	sbr.rel @!p0 .LBB2_2-.Ltmp0, $4  }
0xe: {  	s9 =	sadd.s32 $0x4E200, s9;
	[sflag:s8] =	ssyncadd.s32 $0xFFFEC400  }
0xf: {  	[hbm4b:s9+s3] =	stream.linear.scatter [tilespmem:s7], [sflag:$0x2], $0x13C00, $0x38;
	[tilespmem:$0x13E80] =	vst v63  }
0x10: {  	_ =	swait.ge [sflag:s4], $0x13C00  }
0x11: {  	s10 =	sadd.s32 $0xFFFFFFFF, s10;
	[sflag:s4] =	ssyncset.done $0x0  }
.LBB2_1:
0x12: {  	p0 =	sne.s32 s10, $0x1;
	s10 =	sadd.s32 $0xFFFFFFFF, s10;
	[sflag:s4] =	ssyncadd.s32 $0xFFFEC400  }
0x13: {  	[tilespmem:s3], [sflag:$0x2] =	stream.linear.gather [hbm4b:s5+s3], $0x278, $0x38;
	[tilespmem:$0x13E80] =	vst v63  }
0x14: {  	_ =	swait.ge [sflag:s4], $0x278  }
0x15: {  	[sflag:s4] =	ssyncset.done $0x0  }
0x16: {  	[sflag:s4] =	ssyncadd.s32 $0xFFFFFD88  }
0x17: {  	[tilespmem:s7], [sflag:$0x1] =	stream.indirect.gather [hbm4b:s2+s6], $0x80, s3, s6, $0xb8;
	[tilespmem:$0x13E80] =	vst v63  }
0x18: {  	_ =	swait.ge [sflag:s8], $0x13C00  }
.Ltmp1:
0x19: {  	[sflag:s8] =	ssyncset.done $0x0;
	(pc) =	sbr.rel @p0 .LBB2_1-.Ltmp1, $4  }
0x1a: {  	[sflag:s8] =	ssyncadd.s32 $0xFFFEC400  }
0x1b: {  	[hbm4b:s9+s3] =	stream.linear.scatter [tilespmem:s7], [sflag:$0x2], $0x13C00, $0x38;
	[tilespmem:$0x13E80] =	vst v63  }
0x1c: {  	_ =	swait.ge [sflag:s4], $0x13C00  }
0x1d: {  	[sflag:s4] =	ssyncset.done $0x0  }
.LBB2_2:
0x1e: {  	[sflag:s4] =	ssyncadd.s32 $0xFFFEC400  }
0x1f: {  	_ =	sfence.sel $0x180000  }
0x20: {  	[bflag:$0x0] =	sbarrier.arrive $0xFFFF  }
0x21: {  	p0 =	sne.s32 s0, $0x0;
	_ =	strace $0x90000047  }
0x22: {  	s0 =	sadd.s32 @!p0 $0x100000, s1;
	[bflag:$0x2] =	sbarrier.arrive $0xFFFF  }
0x23: {  	[sflag:s0] =	ssyncadd.tile.s32 @!p0 $0x1;
	_ =	shalt  }
.Lfunc_end2:
_tile_overlayer_lowered:
.L_overlay_start_2:
0x24: {  	(tag) =	ssettag $0x2  }
0x25: {  	s0 =	rddreg [dreg:$0x0];
	s2 =	stileid.u32  }
0x26: {  	s1 =	rddreg [dreg:$0x1];
	p0 =	sne.s32 s2, $0x0  }
0x27: {  	s3 =	rddreg [dreg:$0x2];
	[bflag:$0x3] =	sbarrier.arrive $0xFFFF;
	s2 =	simm.s32 @!p0 $0x1C02  }
0x28: {  	[timem:s3], [sflag:s2] =	dma.local @!p0 [hbm:s0], s1  }
0x29: {  	s0 =	simm.s32 @!p0 $0x2  }
0x2a: {  	_ =	swait.ge @!p0 [sflag:s0], s1  }
0x2b: {  	s1 =	ssub.s32 @!p0 $0x0, s1;
	[sflag:s0] =	ssyncset.done @!p0 $0x0  }
0x2c: {  	[sflag:s0] =	ssyncadd.s32 @!p0 s1  }
0x2d: {  	[bflag:$0x3] =	sbarrier.arrive $0xFFFF  }
0x2e: {  	_ =	shalt  }

</sc_bundles>
